<compile_context>
chip_gen: v7x
topology: tpu7x:2x2x1
jax: 0.10.2.dev20260603
libtpu: 0.0.44.dev20260713+nightly
codegen_flags: <defaults>
</compile_context>

<pallas_src>
import functools

import jax
import jax.numpy as jnp
from jax import lax
from jax.experimental import pallas as pl
from jax.experimental.pallas import tpu as pltpu
from jax.experimental.pallas import tpu_sc as plsc

NUM_EMBEDDINGS = 100000
OUT_DIM = 128
BATCH = 16384
FIELDS = 26

NC = 2
NS = 16
NW = NC * NS

NB = BATCH // NW
CH = 64
CPF = NB // CH
NBUF = 8
DIST = 4
NCHUNK = FIELDS * CPF

assert NB * NW == BATCH
assert CPF == NBUF


def _sc_gather(idx_grouped, emb_weight):
    mesh = plsc.VectorSubcoreMesh(
        core_axis_name="c", subcore_axis_name="s", num_cores=NC, num_subcores=NS
    )

    @functools.partial(
        pl.kernel,
        out_type=jax.ShapeDtypeStruct((FIELDS, BATCH, OUT_DIM), jnp.float32),
        mesh=mesh,
        scratch_types=[
            pltpu.VMEM((FIELDS, NB), jnp.int32),
            pltpu.VMEM((NBUF, CH, OUT_DIM), jnp.float32),
        ]
        + [pltpu.SemaphoreType.DMA] * (2 * NBUF),
    )
    def k(idx_hbm, table_hbm, out_hbm, idx_v, rows_v, *sems):
        gsems = sems[:NBUF]
        ssems = sems[NBUF:]
        wid = lax.axis_index("s") * NC + lax.axis_index("c")
        b0 = wid * NB

        pltpu.sync_copy(idx_hbm.at[wid], idx_v)

        def gather(f, cb, kb):
            return pltpu.make_async_copy(
                table_hbm.at[idx_v.at[f, pl.ds(cb * CH, CH)]],
                rows_v.at[kb],
                gsems[kb],
            )

        def store(f, cb, kb):
            return pltpu.make_async_copy(
                rows_v.at[kb],
                out_hbm.at[f, pl.ds(b0 + cb * CH, CH)],
                ssems[kb],
            )

        for kb in range(DIST):
            gather(0, kb, kb).start()

        @pl.loop(0, FIELDS)
        def _(r):
            for k in range(NBUF):
                kp = (k + DIST) % NBUF
                if k < NBUF - DIST:
                    @pl.when(r > 0)
                    def _():
                        store(r - 1, kp, kp).wait()

                    gather(r, kp, kp).start()
                else:
                    store(r, kp, kp).wait()

                    @pl.when(r < FIELDS - 1)
                    def _():
                        gather(r + 1, kp, kp).start()

                gather(r, k, k).wait()
                store(r, k, k).start()

        for kb in range(DIST, NBUF):
            store(FIELDS - 1, kb, kb).wait()

    return k(idx_grouped, emb_weight)


@jax.jit
def kernel(idx, emb_weight):
    idx_grouped = idx.astype(jnp.int32).reshape(NW, NB, FIELDS).transpose(0, 2, 1)
    out_fmajor = _sc_gather(idx_grouped, emb_weight)
    return out_fmajor.transpose(1, 0, 2)

# --- scband reference (transcript-rebuilt; emitter-appended) ---
"""Pipeline reference for scband-categorical-feat-encoder-53163105190340 (READ-ONLY COPY).

The authoritative reference and input builder live on the scoring server;
editing this copy changes nothing except your own understanding.
"""

import jax, jax.numpy as jnp
import numpy as np

NUM_EMBEDDINGS = 100000
OUT_DIM = 128
BATCH = 16384
FIELDS = 26

def setup_inputs(seed: int = 0) -> dict:
    key = jax.random.key(seed)
    k_idx, k_w = jax.random.split(key)
    idx = jax.random.randint(k_idx, (BATCH, FIELDS), 0, NUM_EMBEDDINGS, dtype=jnp.int64) if jax.config.jax_enable_x64 else jax.random.randint(k_idx, (BATCH, FIELDS), 0, NUM_EMBEDDINGS, dtype=jnp.int32)
    emb_weight = jax.random.normal(k_w, (NUM_EMBEDDINGS, OUT_DIM), dtype=jnp.float32)
    return {"idx": idx, "emb_weight": emb_weight}

def reference(idx, emb_weight):
    # Faithful translation of nn.Embedding forward: gather rows of the table.
    return jnp.take(emb_weight, idx, axis=0)

if __name__ == "__main__":
    import jax
    _d = setup_inputs()
    print(jax.jit(kernel)(*tuple(_d.values())))

</pallas_src>

<mosaic_0001>
#map = affine_map<(d0, d1) -> (0, 0, 0)>
#map1 = affine_map<(d0, d1) -> (0, 0)>
module attributes {stable_mosaic.version = 14 : i64} {
  func.func @k(%arg0: i32, %arg1: i32, %arg2: memref<32x26x512xi32, #tpu.memory_space<hbm>>, %arg3: memref<100000x128xf32, #tpu.memory_space<hbm>>, %arg4: memref<26x16384x128xf32, #tpu.memory_space<hbm>>, %arg5: memref<26x512xi32, #tpu.memory_space<vmem>>, %arg6: memref<8x64x128xf32, #tpu.memory_space<vmem>>, %arg7: memref<!tpu.dma_semaphore, #tpu.memory_space<semaphore_mem>>, %arg8: memref<!tpu.dma_semaphore, #tpu.memory_space<semaphore_mem>>, %arg9: memref<!tpu.dma_semaphore, #tpu.memory_space<semaphore_mem>>, %arg10: memref<!tpu.dma_semaphore, #tpu.memory_space<semaphore_mem>>, %arg11: memref<!tpu.dma_semaphore, #tpu.memory_space<semaphore_mem>>, %arg12: memref<!tpu.dma_semaphore, #tpu.memory_space<semaphore_mem>>, %arg13: memref<!tpu.dma_semaphore, #tpu.memory_space<semaphore_mem>>, %arg14: memref<!tpu.dma_semaphore, #tpu.memory_space<semaphore_mem>>, %arg15: memref<!tpu.dma_semaphore, #tpu.memory_space<semaphore_mem>>, %arg16: memref<!tpu.dma_semaphore, #tpu.memory_space<semaphore_mem>>, %arg17: memref<!tpu.dma_semaphore, #tpu.memory_space<semaphore_mem>>, %arg18: memref<!tpu.dma_semaphore, #tpu.memory_space<semaphore_mem>>, %arg19: memref<!tpu.dma_semaphore, #tpu.memory_space<semaphore_mem>>, %arg20: memref<!tpu.dma_semaphore, #tpu.memory_space<semaphore_mem>>, %arg21: memref<!tpu.dma_semaphore, #tpu.memory_space<semaphore_mem>>, %arg22: memref<!tpu.dma_semaphore, #tpu.memory_space<semaphore_mem>>) attributes {dimension_semantics = [#tpu.dimension_semantics<core_parallel>, #tpu.dimension_semantics<subcore_parallel>], iteration_bounds = array<i64: 2, 16>, scalar_prefetch = 0 : i64, scratch_operands = 18 : i64, tpu.core_type = #tpu.core_type<sc_vector_subcore>, window_params = [{transform_indices = #map}, {transform_indices = #map1}, {transform_indices = #map}]} {
    %mul3A = arith.constant 2 : i32
    %mul3A_0 = arith.muli %arg1, %mul3A : i32
    %add3A = arith.addi %mul3A_0, %arg0 : i32
    %mul3A_1 = arith.constant 512 : i32
    %mul3A_2 = arith.muli %add3A, %mul3A_1 : i32
    "tpu.region"() ({
      %run_scoped3A = tpu.sem_alloc : memref<!tpu.dma_semaphore, #tpu.memory_space<semaphore_mem>>
      %dma_start3A_125 = arith.constant 0 : i32
      %dma_start3A_126 = arith.constant 0 : i32
      %dma_start3A_127 = tpu.memref_slice %arg2[%add3A, %dma_start3A_125, %dma_start3A_126] : memref<32x26x512xi32, #tpu.memory_space<hbm>> -> memref<1x26x512xi32, #tpu.memory_space<hbm>>
      %dma_start3A_128 = tpu.memref_squeeze %dma_start3A_127 : memref<1x26x512xi32, #tpu.memory_space<hbm>> -> memref<26x512xi32, #tpu.memory_space<hbm>>
      %dma_start3A_129 = arith.constant 0 : i32
      %dma_start3A_130 = arith.constant 0 : i32
      %dma_start3A_131 = tpu.memref_slice %arg2[%add3A, %dma_start3A_129, %dma_start3A_130] : memref<32x26x512xi32, #tpu.memory_space<hbm>> -> memref<1x26x512xi32, #tpu.memory_space<hbm>>
      %dma_start3A_132 = tpu.memref_squeeze %dma_start3A_131 : memref<1x26x512xi32, #tpu.memory_space<hbm>> -> memref<26x512xi32, #tpu.memory_space<hbm>>
      tpu.enqueue_dma source(%dma_start3A_132 : memref<26x512xi32, #tpu.memory_space<hbm>>) target(%arg5 : memref<26x512xi32, #tpu.memory_space<vmem>>) target_semaphore(%run_scoped3A : memref<!tpu.dma_semaphore, #tpu.memory_space<semaphore_mem>>)
      %dma_wait3A_133 = arith.constant 0 : i32
      %dma_wait3A_134 = arith.constant 0 : i32
      %dma_wait3A_135 = tpu.memref_slice %arg2[%add3A, %dma_wait3A_133, %dma_wait3A_134] : memref<32x26x512xi32, #tpu.memory_space<hbm>> -> memref<1x26x512xi32, #tpu.memory_space<hbm>>
      %dma_wait3A_136 = tpu.memref_squeeze %dma_wait3A_135 : memref<1x26x512xi32, #tpu.memory_space<hbm>> -> memref<26x512xi32, #tpu.memory_space<hbm>>
      %dma_wait3A_137 = arith.constant 0 : i32
      %dma_wait3A_138 = arith.constant 0 : i32
      %dma_wait3A_139 = tpu.memref_slice %arg2[%add3A, %dma_wait3A_137, %dma_wait3A_138] : memref<32x26x512xi32, #tpu.memory_space<hbm>> -> memref<1x26x512xi32, #tpu.memory_space<hbm>>
      %dma_wait3A_140 = tpu.memref_squeeze %dma_wait3A_139 : memref<1x26x512xi32, #tpu.memory_space<hbm>> -> memref<26x512xi32, #tpu.memory_space<hbm>>
      tpu.wait_dma2 semaphore(%run_scoped3A : memref<!tpu.dma_semaphore, #tpu.memory_space<semaphore_mem>>) src(%dma_wait3A_140 : memref<26x512xi32, #tpu.memory_space<hbm>>) dst(%arg5 : memref<26x512xi32, #tpu.memory_space<vmem>>)
      tpu.yield
    }) : () -> ()
    %dma_start3A = arith.constant 0 : i32
    %dma_start3A_3 = arith.constant 0 : i32
    %dma_start3A_4 = arith.constant 0 : i32
    %dma_start3A_5 = arith.constant 0 : i32
    %dma_start3A_6 = tpu.memref_slice %arg6[%dma_start3A_3, %dma_start3A_4, %dma_start3A_5] : memref<8x64x128xf32, #tpu.memory_space<vmem>> -> memref<1x64x128xf32, #tpu.memory_space<vmem>>
    %dma_start3A_7 = tpu.memref_squeeze %dma_start3A_6 : memref<1x64x128xf32, #tpu.memory_space<vmem>> -> memref<64x128xf32, #tpu.memory_space<vmem>>
    %dma_start3A_8 = arith.constant 0 : i32
    %dma_start3A_9 = tpu.memref_slice %arg5[%dma_start3A, %dma_start3A_8] : memref<26x512xi32, #tpu.memory_space<vmem>> -> memref<1x64xi32, #tpu.memory_space<vmem>>
    %dma_start3A_10 = tpu.memref_squeeze %dma_start3A_9 : memref<1x64xi32, #tpu.memory_space<vmem>> -> memref<64xi32, #tpu.memory_space<vmem>>
    %dma_start3A_11 = arith.constant 0 : i32
    %dma_start3A_12 = arith.constant 0 : i32
    %dma_start3A_13 = tpu.memref_slice %arg3[%dma_start3A_11, %dma_start3A_12] : memref<100000x128xf32, #tpu.memory_space<hbm>> -> memref<100000x128xf32, #tpu.memory_space<hbm>>
    tpu.enqueue_indirect_dma source(%dma_start3A_13 : memref<100000x128xf32, #tpu.memory_space<hbm>>) target(%dma_start3A_7 : memref<64x128xf32, #tpu.memory_space<vmem>>) offsets(%dma_start3A_10 : memref<64xi32, #tpu.memory_space<vmem>>) semaphore(%arg7 : memref<!tpu.dma_semaphore, #tpu.memory_space<semaphore_mem>>)
    %dma_start3A_14 = arith.constant 0 : i32
    %dma_start3A_15 = arith.constant 1 : i32
    %dma_start3A_16 = arith.constant 0 : i32
    %dma_start3A_17 = arith.constant 0 : i32
    %dma_start3A_18 = tpu.memref_slice %arg6[%dma_start3A_15, %dma_start3A_16, %dma_start3A_17] : memref<8x64x128xf32, #tpu.memory_space<vmem>> -> memref<1x64x128xf32, #tpu.memory_space<vmem>>
    %dma_start3A_19 = tpu.memref_squeeze %dma_start3A_18 : memref<1x64x128xf32, #tpu.memory_space<vmem>> -> memref<64x128xf32, #tpu.memory_space<vmem>>
    %dma_start3A_20 = arith.constant 64 : i32
    %dma_start3A_21 = tpu.memref_slice %arg5[%dma_start3A_14, %dma_start3A_20] : memref<26x512xi32, #tpu.memory_space<vmem>> -> memref<1x64xi32, #tpu.memory_space<vmem>>
    %dma_start3A_22 = tpu.memref_squeeze %dma_start3A_21 : memref<1x64xi32, #tpu.memory_space<vmem>> -> memref<64xi32, #tpu.memory_space<vmem>>
    %dma_start3A_23 = arith.constant 0 : i32
    %dma_start3A_24 = arith.constant 0 : i32
    %dma_start3A_25 = tpu.memref_slice %arg3[%dma_start3A_23, %dma_start3A_24] : memref<100000x128xf32, #tpu.memory_space<hbm>> -> memref<100000x128xf32, #tpu.memory_space<hbm>>
    tpu.enqueue_indirect_dma source(%dma_start3A_25 : memref<100000x128xf32, #tpu.memory_space<hbm>>) target(%dma_start3A_19 : memref<64x128xf32, #tpu.memory_space<vmem>>) offsets(%dma_start3A_22 : memref<64xi32, #tpu.memory_space<vmem>>) semaphore(%arg8 : memref<!tpu.dma_semaphore, #tpu.memory_space<semaphore_mem>>)
    %dma_start3A_26 = arith.constant 0 : i32
    %dma_start3A_27 = arith.constant 2 : i32
    %dma_start3A_28 = arith.constant 0 : i32
    %dma_start3A_29 = arith.constant 0 : i32
    %dma_start3A_30 = tpu.memref_slice %arg6[%dma_start3A_27, %dma_start3A_28, %dma_start3A_29] : memref<8x64x128xf32, #tpu.memory_space<vmem>> -> memref<1x64x128xf32, #tpu.memory_space<vmem>>
    %dma_start3A_31 = tpu.memref_squeeze %dma_start3A_30 : memref<1x64x128xf32, #tpu.memory_space<vmem>> -> memref<64x128xf32, #tpu.memory_space<vmem>>
    %dma_start3A_32 = arith.constant 128 : i32
    %dma_start3A_33 = tpu.memref_slice %arg5[%dma_start3A_26, %dma_start3A_32] : memref<26x512xi32, #tpu.memory_space<vmem>> -> memref<1x64xi32, #tpu.memory_space<vmem>>
    %dma_start3A_34 = tpu.memref_squeeze %dma_start3A_33 : memref<1x64xi32, #tpu.memory_space<vmem>> -> memref<64xi32, #tpu.memory_space<vmem>>
    %dma_start3A_35 = arith.constant 0 : i32
    %dma_start3A_36 = arith.constant 0 : i32
    %dma_start3A_37 = tpu.memref_slice %arg3[%dma_start3A_35, %dma_start3A_36] : memref<100000x128xf32, #tpu.memory_space<hbm>> -> memref<100000x128xf32, #tpu.memory_space<hbm>>
    tpu.enqueue_indirect_dma source(%dma_start3A_37 : memref<100000x128xf32, #tpu.memory_space<hbm>>) target(%dma_start3A_31 : memref<64x128xf32, #tpu.memory_space<vmem>>) offsets(%dma_start3A_34 : memref<64xi32, #tpu.memory_space<vmem>>) semaphore(%arg9 : memref<!tpu.dma_semaphore, #tpu.memory_space<semaphore_mem>>)
    %dma_start3A_38 = arith.constant 0 : i32
    %dma_start3A_39 = arith.constant 3 : i32
    %dma_start3A_40 = arith.constant 0 : i32
    %dma_start3A_41 = arith.constant 0 : i32
    %dma_start3A_42 = tpu.memref_slice %arg6[%dma_start3A_39, %dma_start3A_40, %dma_start3A_41] : memref<8x64x128xf32, #tpu.memory_space<vmem>> -> memref<1x64x128xf32, #tpu.memory_space<vmem>>
    %dma_start3A_43 = tpu.memref_squeeze %dma_start3A_42 : memref<1x64x128xf32, #tpu.memory_space<vmem>> -> memref<64x128xf32, #tpu.memory_space<vmem>>
    %dma_start3A_44 = arith.constant 192 : i32
    %dma_start3A_45 = tpu.memref_slice %arg5[%dma_start3A_38, %dma_start3A_44] : memref<26x512xi32, #tpu.memory_space<vmem>> -> memref<1x64xi32, #tpu.memory_space<vmem>>
    %dma_start3A_46 = tpu.memref_squeeze %dma_start3A_45 : memref<1x64xi32, #tpu.memory_space<vmem>> -> memref<64xi32, #tpu.memory_space<vmem>>
    %dma_start3A_47 = arith.constant 0 : i32
    %dma_start3A_48 = arith.constant 0 : i32
    %dma_start3A_49 = tpu.memref_slice %arg3[%dma_start3A_47, %dma_start3A_48] : memref<100000x128xf32, #tpu.memory_space<hbm>> -> memref<100000x128xf32, #tpu.memory_space<hbm>>
    tpu.enqueue_indirect_dma source(%dma_start3A_49 : memref<100000x128xf32, #tpu.memory_space<hbm>>) target(%dma_start3A_43 : memref<64x128xf32, #tpu.memory_space<vmem>>) offsets(%dma_start3A_46 : memref<64xi32, #tpu.memory_space<vmem>>) semaphore(%arg10 : memref<!tpu.dma_semaphore, #tpu.memory_space<semaphore_mem>>)
    %scan3A = arith.constant 0 : i32
    %scan3A_50 = arith.constant 26 : i32
    %scan3A_51 = arith.addi %scan3A, %scan3A_50 : i32
    %scan3A_52 = arith.constant 1 : i32
    scf.for %scan3A_125 = %scan3A to %scan3A_51 step %scan3A_52  : i32 {
      %mul3A_126 = arith.constant 1 : i32
      %mul3A_127 = arith.muli %scan3A_125, %mul3A_126 : i32
      %add3A_128 = arith.constant 0 : i32
      %add3A_129 = arith.addi %add3A_128, %mul3A_127 : i32
      %gt3A = arith.constant 0 : i32
      %gt3A_130 = arith.cmpi sgt, %add3A_129, %gt3A : i32
      %convert_element_type3A = arith.extui %gt3A_130 : i1 to i32
      %cond3A = arith.constant 0 : i32
      %cond3A_131 = arith.cmpi ne, %convert_element_type3A, %cond3A : i32
      scf.if %cond3A_131 {
        %sub3A = arith.constant 1 : i32
        %sub3A_502 = arith.subi %add3A_129, %sub3A : i32
        %add3A_503 = arith.constant 256 : i32
        %add3A_504 = arith.addi %mul3A_2, %add3A_503 : i32
        %dma_wait3A_505 = arith.constant 4 : i32
        %dma_wait3A_506 = arith.constant 0 : i32
        %dma_wait3A_507 = arith.constant 0 : i32
        %dma_wait3A_508 = tpu.memref_slice %arg6[%dma_wait3A_505, %dma_wait3A_506, %dma_wait3A_507] : memref<8x64x128xf32, #tpu.memory_space<vmem>> -> memref<1x64x128xf32, #tpu.memory_space<vmem>>
        %dma_wait3A_509 = tpu.memref_squeeze %dma_wait3A_508 : memref<1x64x128xf32, #tpu.memory_space<vmem>> -> memref<64x128xf32, #tpu.memory_space<vmem>>
        %dma_wait3A_510 = arith.constant 0 : i32
        %dma_wait3A_511 = tpu.memref_slice %arg4[%sub3A_502, %add3A_504, %dma_wait3A_510] : memref<26x16384x128xf32, #tpu.memory_space<hbm>> -> memref<1x64x128xf32, #tpu.memory_space<hbm>>
        %dma_wait3A_512 = tpu.memref_squeeze %dma_wait3A_511 : memref<1x64x128xf32, #tpu.memory_space<hbm>> -> memref<64x128xf32, #tpu.memory_space<hbm>>
        %dma_wait3A_513 = arith.constant 0 : i32
        %dma_wait3A_514 = tpu.memref_slice %arg4[%sub3A_502, %add3A_504, %dma_wait3A_513] : memref<26x16384x128xf32, #tpu.memory_space<hbm>> -> memref<1x64x128xf32, #tpu.memory_space<hbm>>
        %dma_wait3A_515 = tpu.memref_squeeze %dma_wait3A_514 : memref<1x64x128xf32, #tpu.memory_space<hbm>> -> memref<64x128xf32, #tpu.memory_space<hbm>>
        %dma_wait3A_516 = arith.constant 0 : i32
        %dma_wait3A_517 = arith.constant 0 : i32
        %dma_wait3A_518 = tpu.memref_slice %arg6[%dma_wait3A_505, %dma_wait3A_516, %dma_wait3A_517] : memref<8x64x128xf32, #tpu.memory_space<vmem>> -> memref<1x64x128xf32, #tpu.memory_space<vmem>>
        %dma_wait3A_519 = tpu.memref_squeeze %dma_wait3A_518 : memref<1x64x128xf32, #tpu.memory_space<vmem>> -> memref<64x128xf32, #tpu.memory_space<vmem>>
        tpu.wait_dma2 semaphore(%arg19 : memref<!tpu.dma_semaphore, #tpu.memory_space<semaphore_mem>>) src(%dma_wait3A_519 : memref<64x128xf32, #tpu.memory_space<vmem>>) dst(%dma_wait3A_515 : memref<64x128xf32, #tpu.memory_space<hbm>>)
      } else {
      }
      %dma_start3A_132 = arith.constant 4 : i32
      %dma_start3A_133 = arith.constant 0 : i32
      %dma_start3A_134 = arith.constant 0 : i32
      %dma_start3A_135 = tpu.memref_slice %arg6[%dma_start3A_132, %dma_start3A_133, %dma_start3A_134] : memref<8x64x128xf32, #tpu.memory_space<vmem>> -> memref<1x64x128xf32, #tpu.memory_space<vmem>>
      %dma_start3A_136 = tpu.memref_squeeze %dma_start3A_135 : memref<1x64x128xf32, #tpu.memory_space<vmem>> -> memref<64x128xf32, #tpu.memory_space<vmem>>
      %dma_start3A_137 = arith.constant 256 : i32
      %dma_start3A_138 = tpu.memref_slice %arg5[%add3A_129, %dma_start3A_137] : memref<26x512xi32, #tpu.memory_space<vmem>> -> memref<1x64xi32, #tpu.memory_space<vmem>>
      %dma_start3A_139 = tpu.memref_squeeze %dma_start3A_138 : memref<1x64xi32, #tpu.memory_space<vmem>> -> memref<64xi32, #tpu.memory_space<vmem>>
      %dma_start3A_140 = arith.constant 0 : i32
      %dma_start3A_141 = arith.constant 0 : i32
      %dma_start3A_142 = tpu.memref_slice %arg3[%dma_start3A_140, %dma_start3A_141] : memref<100000x128xf32, #tpu.memory_space<hbm>> -> memref<100000x128xf32, #tpu.memory_space<hbm>>
      tpu.enqueue_indirect_dma source(%dma_start3A_142 : memref<100000x128xf32, #tpu.memory_space<hbm>>) target(%dma_start3A_136 : memref<64x128xf32, #tpu.memory_space<vmem>>) offsets(%dma_start3A_139 : memref<64xi32, #tpu.memory_space<vmem>>) semaphore(%arg11 : memref<!tpu.dma_semaphore, #tpu.memory_space<semaphore_mem>>)
      %dma_wait3A_143 = arith.constant 0 : i32
      %dma_wait3A_144 = arith.constant 0 : i32
      %dma_wait3A_145 = arith.constant 0 : i32
      %dma_wait3A_146 = tpu.memref_slice %arg6[%dma_wait3A_143, %dma_wait3A_144, %dma_wait3A_145] : memref<8x64x128xf32, #tpu.memory_space<vmem>> -> memref<1x64x128xf32, #tpu.memory_space<vmem>>
      %dma_wait3A_147 = tpu.memref_squeeze %dma_wait3A_146 : memref<1x64x128xf32, #tpu.memory_space<vmem>> -> memref<64x128xf32, #tpu.memory_space<vmem>>
      %dma_wait3A_148 = arith.constant 0 : i32
      %dma_wait3A_149 = tpu.memref_slice %arg5[%add3A_129, %dma_wait3A_148] : memref<26x512xi32, #tpu.memory_space<vmem>> -> memref<1x64xi32, #tpu.memory_space<vmem>>
      %dma_wait3A_150 = tpu.memref_squeeze %dma_wait3A_149 : memref<1x64xi32, #tpu.memory_space<vmem>> -> memref<64xi32, #tpu.memory_space<vmem>>
      %dma_wait3A_151 = arith.constant 0 : i32
      %dma_wait3A_152 = arith.constant 0 : i32
      %dma_wait3A_153 = tpu.memref_slice %arg3[%dma_wait3A_151, %dma_wait3A_152] : memref<100000x128xf32, #tpu.memory_space<hbm>> -> memref<100000x128xf32, #tpu.memory_space<hbm>>
      tpu.wait_indirect_dma semaphore(%arg7 : memref<!tpu.dma_semaphore, #tpu.memory_space<semaphore_mem>>) src(%dma_wait3A_153 : memref<100000x128xf32, #tpu.memory_space<hbm>>) dst(%dma_wait3A_147 : memref<64x128xf32, #tpu.memory_space<vmem>>)
      %add3A_154 = arith.constant 0 : i32
      %add3A_155 = arith.addi %mul3A_2, %add3A_154 : i32
      %dma_start3A_156 = arith.constant 0 : i32
      %dma_start3A_157 = arith.constant 0 : i32
      %dma_start3A_158 = arith.constant 0 : i32
      %dma_start3A_159 = tpu.memref_slice %arg6[%dma_start3A_156, %dma_start3A_157, %dma_start3A_158] : memref<8x64x128xf32, #tpu.memory_space<vmem>> -> memref<1x64x128xf32, #tpu.memory_space<vmem>>
      %dma_start3A_160 = tpu.memref_squeeze %dma_start3A_159 : memref<1x64x128xf32, #tpu.memory_space<vmem>> -> memref<64x128xf32, #tpu.memory_space<vmem>>
      %dma_start3A_161 = arith.constant 0 : i32
      %dma_start3A_162 = tpu.memref_slice %arg4[%add3A_129, %add3A_155, %dma_start3A_161] : memref<26x16384x128xf32, #tpu.memory_space<hbm>> -> memref<1x64x128xf32, #tpu.memory_space<hbm>>
      %dma_start3A_163 = tpu.memref_squeeze %dma_start3A_162 : memref<1x64x128xf32, #tpu.memory_space<hbm>> -> memref<64x128xf32, #tpu.memory_space<hbm>>
      %dma_start3A_164 = arith.constant 0 : i32
      %dma_start3A_165 = tpu.memref_slice %arg4[%add3A_129, %add3A_155, %dma_start3A_164] : memref<26x16384x128xf32, #tpu.memory_space<hbm>> -> memref<1x64x128xf32, #tpu.memory_space<hbm>>
      %dma_start3A_166 = tpu.memref_squeeze %dma_start3A_165 : memref<1x64x128xf32, #tpu.memory_space<hbm>> -> memref<64x128xf32, #tpu.memory_space<hbm>>
      %dma_start3A_167 = arith.constant 0 : i32
      %dma_start3A_168 = arith.constant 0 : i32
      %dma_start3A_169 = tpu.memref_slice %arg6[%dma_start3A_156, %dma_start3A_167, %dma_start3A_168] : memref<8x64x128xf32, #tpu.memory_space<vmem>> -> memref<1x64x128xf32, #tpu.memory_space<vmem>>
      %dma_start3A_170 = tpu.memref_squeeze %dma_start3A_169 : memref<1x64x128xf32, #tpu.memory_space<vmem>> -> memref<64x128xf32, #tpu.memory_space<vmem>>
      tpu.enqueue_dma source(%dma_start3A_170 : memref<64x128xf32, #tpu.memory_space<vmem>>) target(%dma_start3A_166 : memref<64x128xf32, #tpu.memory_space<hbm>>) target_semaphore(%arg15 : memref<!tpu.dma_semaphore, #tpu.memory_space<semaphore_mem>>)
      %gt3A_171 = arith.constant 0 : i32
      %gt3A_172 = arith.cmpi sgt, %add3A_129, %gt3A_171 : i32
      %convert_element_type3A_173 = arith.extui %gt3A_172 : i1 to i32
      %cond3A_174 = arith.constant 0 : i32
      %cond3A_175 = arith.cmpi ne, %convert_element_type3A_173, %cond3A_174 : i32
      scf.if %cond3A_175 {
        %sub3A = arith.constant 1 : i32
        %sub3A_502 = arith.subi %add3A_129, %sub3A : i32
        %add3A_503 = arith.constant 320 : i32
        %add3A_504 = arith.addi %mul3A_2, %add3A_503 : i32
        %dma_wait3A_505 = arith.constant 5 : i32
        %dma_wait3A_506 = arith.constant 0 : i32
        %dma_wait3A_507 = arith.constant 0 : i32
        %dma_wait3A_508 = tpu.memref_slice %arg6[%dma_wait3A_505, %dma_wait3A_506, %dma_wait3A_507] : memref<8x64x128xf32, #tpu.memory_space<vmem>> -> memref<1x64x128xf32, #tpu.memory_space<vmem>>
        %dma_wait3A_509 = tpu.memref_squeeze %dma_wait3A_508 : memref<1x64x128xf32, #tpu.memory_space<vmem>> -> memref<64x128xf32, #tpu.memory_space<vmem>>
        %dma_wait3A_510 = arith.constant 0 : i32
        %dma_wait3A_511 = tpu.memref_slice %arg4[%sub3A_502, %add3A_504, %dma_wait3A_510] : memref<26x16384x128xf32, #tpu.memory_space<hbm>> -> memref<1x64x128xf32, #tpu.memory_space<hbm>>
        %dma_wait3A_512 = tpu.memref_squeeze %dma_wait3A_511 : memref<1x64x128xf32, #tpu.memory_space<hbm>> -> memref<64x128xf32, #tpu.memory_space<hbm>>
        %dma_wait3A_513 = arith.constant 0 : i32
        %dma_wait3A_514 = tpu.memref_slice %arg4[%sub3A_502, %add3A_504, %dma_wait3A_513] : memref<26x16384x128xf32, #tpu.memory_space<hbm>> -> memref<1x64x128xf32, #tpu.memory_space<hbm>>
        %dma_wait3A_515 = tpu.memref_squeeze %dma_wait3A_514 : memref<1x64x128xf32, #tpu.memory_space<hbm>> -> memref<64x128xf32, #tpu.memory_space<hbm>>
        %dma_wait3A_516 = arith.constant 0 : i32
        %dma_wait3A_517 = arith.constant 0 : i32
        %dma_wait3A_518 = tpu.memref_slice %arg6[%dma_wait3A_505, %dma_wait3A_516, %dma_wait3A_517] : memref<8x64x128xf32, #tpu.memory_space<vmem>> -> memref<1x64x128xf32, #tpu.memory_space<vmem>>
        %dma_wait3A_519 = tpu.memref_squeeze %dma_wait3A_518 : memref<1x64x128xf32, #tpu.memory_space<vmem>> -> memref<64x128xf32, #tpu.memory_space<vmem>>
        tpu.wait_dma2 semaphore(%arg20 : memref<!tpu.dma_semaphore, #tpu.memory_space<semaphore_mem>>) src(%dma_wait3A_519 : memref<64x128xf32, #tpu.memory_space<vmem>>) dst(%dma_wait3A_515 : memref<64x128xf32, #tpu.memory_space<hbm>>)
      } else {
      }
      %dma_start3A_176 = arith.constant 5 : i32
      %dma_start3A_177 = arith.constant 0 : i32
      %dma_start3A_178 = arith.constant 0 : i32
      %dma_start3A_179 = tpu.memref_slice %arg6[%dma_start3A_176, %dma_start3A_177, %dma_start3A_178] : memref<8x64x128xf32, #tpu.memory_space<vmem>> -> memref<1x64x128xf32, #tpu.memory_space<vmem>>
      %dma_start3A_180 = tpu.memref_squeeze %dma_start3A_179 : memref<1x64x128xf32, #tpu.memory_space<vmem>> -> memref<64x128xf32, #tpu.memory_space<vmem>>
      %dma_start3A_181 = arith.constant 320 : i32
      %dma_start3A_182 = tpu.memref_slice %arg5[%add3A_129, %dma_start3A_181] : memref<26x512xi32, #tpu.memory_space<vmem>> -> memref<1x64xi32, #tpu.memory_space<vmem>>
      %dma_start3A_183 = tpu.memref_squeeze %dma_start3A_182 : memref<1x64xi32, #tpu.memory_space<vmem>> -> memref<64xi32, #tpu.memory_space<vmem>>
      %dma_start3A_184 = arith.constant 0 : i32
      %dma_start3A_185 = arith.constant 0 : i32
      %dma_start3A_186 = tpu.memref_slice %arg3[%dma_start3A_184, %dma_start3A_185] : memref<100000x128xf32, #tpu.memory_space<hbm>> -> memref<100000x128xf32, #tpu.memory_space<hbm>>
      tpu.enqueue_indirect_dma source(%dma_start3A_186 : memref<100000x128xf32, #tpu.memory_space<hbm>>) target(%dma_start3A_180 : memref<64x128xf32, #tpu.memory_space<vmem>>) offsets(%dma_start3A_183 : memref<64xi32, #tpu.memory_space<vmem>>) semaphore(%arg12 : memref<!tpu.dma_semaphore, #tpu.memory_space<semaphore_mem>>)
      %dma_wait3A_187 = arith.constant 1 : i32
      %dma_wait3A_188 = arith.constant 0 : i32
      %dma_wait3A_189 = arith.constant 0 : i32
      %dma_wait3A_190 = tpu.memref_slice %arg6[%dma_wait3A_187, %dma_wait3A_188, %dma_wait3A_189] : memref<8x64x128xf32, #tpu.memory_space<vmem>> -> memref<1x64x128xf32, #tpu.memory_space<vmem>>
      %dma_wait3A_191 = tpu.memref_squeeze %dma_wait3A_190 : memref<1x64x128xf32, #tpu.memory_space<vmem>> -> memref<64x128xf32, #tpu.memory_space<vmem>>
      %dma_wait3A_192 = arith.constant 64 : i32
      %dma_wait3A_193 = tpu.memref_slice %arg5[%add3A_129, %dma_wait3A_192] : memref<26x512xi32, #tpu.memory_space<vmem>> -> memref<1x64xi32, #tpu.memory_space<vmem>>
      %dma_wait3A_194 = tpu.memref_squeeze %dma_wait3A_193 : memref<1x64xi32, #tpu.memory_space<vmem>> -> memref<64xi32, #tpu.memory_space<vmem>>
      %dma_wait3A_195 = arith.constant 0 : i32
      %dma_wait3A_196 = arith.constant 0 : i32
      %dma_wait3A_197 = tpu.memref_slice %arg3[%dma_wait3A_195, %dma_wait3A_196] : memref<100000x128xf32, #tpu.memory_space<hbm>> -> memref<100000x128xf32, #tpu.memory_space<hbm>>
      tpu.wait_indirect_dma semaphore(%arg8 : memref<!tpu.dma_semaphore, #tpu.memory_space<semaphore_mem>>) src(%dma_wait3A_197 : memref<100000x128xf32, #tpu.memory_space<hbm>>) dst(%dma_wait3A_191 : memref<64x128xf32, #tpu.memory_space<vmem>>)
      %add3A_198 = arith.constant 64 : i32
      %add3A_199 = arith.addi %mul3A_2, %add3A_198 : i32
      %dma_start3A_200 = arith.constant 1 : i32
      %dma_start3A_201 = arith.constant 0 : i32
      %dma_start3A_202 = arith.constant 0 : i32
      %dma_start3A_203 = tpu.memref_slice %arg6[%dma_start3A_200, %dma_start3A_201, %dma_start3A_202] : memref<8x64x128xf32, #tpu.memory_space<vmem>> -> memref<1x64x128xf32, #tpu.memory_space<vmem>>
      %dma_start3A_204 = tpu.memref_squeeze %dma_start3A_203 : memref<1x64x128xf32, #tpu.memory_space<vmem>> -> memref<64x128xf32, #tpu.memory_space<vmem>>
      %dma_start3A_205 = arith.constant 0 : i32
      %dma_start3A_206 = tpu.memref_slice %arg4[%add3A_129, %add3A_199, %dma_start3A_205] : memref<26x16384x128xf32, #tpu.memory_space<hbm>> -> memref<1x64x128xf32, #tpu.memory_space<hbm>>
      %dma_start3A_207 = tpu.memref_squeeze %dma_start3A_206 : memref<1x64x128xf32, #tpu.memory_space<hbm>> -> memref<64x128xf32, #tpu.memory_space<hbm>>
      %dma_start3A_208 = arith.constant 0 : i32
      %dma_start3A_209 = tpu.memref_slice %arg4[%add3A_129, %add3A_199, %dma_start3A_208] : memref<26x16384x128xf32, #tpu.memory_space<hbm>> -> memref<1x64x128xf32, #tpu.memory_space<hbm>>
      %dma_start3A_210 = tpu.memref_squeeze %dma_start3A_209 : memref<1x64x128xf32, #tpu.memory_space<hbm>> -> memref<64x128xf32, #tpu.memory_space<hbm>>
      %dma_start3A_211 = arith.constant 0 : i32
      %dma_start3A_212 = arith.constant 0 : i32
      %dma_start3A_213 = tpu.memref_slice %arg6[%dma_start3A_200, %dma_start3A_211, %dma_start3A_212] : memref<8x64x128xf32, #tpu.memory_space<vmem>> -> memref<1x64x128xf32, #tpu.memory_space<vmem>>
      %dma_start3A_214 = tpu.memref_squeeze %dma_start3A_213 : memref<1x64x128xf32, #tpu.memory_space<vmem>> -> memref<64x128xf32, #tpu.memory_space<vmem>>
      tpu.enqueue_dma source(%dma_start3A_214 : memref<64x128xf32, #tpu.memory_space<vmem>>) target(%dma_start3A_210 : memref<64x128xf32, #tpu.memory_space<hbm>>) target_semaphore(%arg16 : memref<!tpu.dma_semaphore, #tpu.memory_space<semaphore_mem>>)
      %gt3A_215 = arith.constant 0 : i32
      %gt3A_216 = arith.cmpi sgt, %add3A_129, %gt3A_215 : i32
      %convert_element_type3A_217 = arith.extui %gt3A_216 : i1 to i32
      %cond3A_218 = arith.constant 0 : i32
      %cond3A_219 = arith.cmpi ne, %convert_element_type3A_217, %cond3A_218 : i32
      scf.if %cond3A_219 {
        %sub3A = arith.constant 1 : i32
        %sub3A_502 = arith.subi %add3A_129, %sub3A : i32
        %add3A_503 = arith.constant 384 : i32
        %add3A_504 = arith.addi %mul3A_2, %add3A_503 : i32
        %dma_wait3A_505 = arith.constant 6 : i32
        %dma_wait3A_506 = arith.constant 0 : i32
        %dma_wait3A_507 = arith.constant 0 : i32
        %dma_wait3A_508 = tpu.memref_slice %arg6[%dma_wait3A_505, %dma_wait3A_506, %dma_wait3A_507] : memref<8x64x128xf32, #tpu.memory_space<vmem>> -> memref<1x64x128xf32, #tpu.memory_space<vmem>>
        %dma_wait3A_509 = tpu.memref_squeeze %dma_wait3A_508 : memref<1x64x128xf32, #tpu.memory_space<vmem>> -> memref<64x128xf32, #tpu.memory_space<vmem>>
        %dma_wait3A_510 = arith.constant 0 : i32
        %dma_wait3A_511 = tpu.memref_slice %arg4[%sub3A_502, %add3A_504, %dma_wait3A_510] : memref<26x16384x128xf32, #tpu.memory_space<hbm>> -> memref<1x64x128xf32, #tpu.memory_space<hbm>>
        %dma_wait3A_512 = tpu.memref_squeeze %dma_wait3A_511 : memref<1x64x128xf32, #tpu.memory_space<hbm>> -> memref<64x128xf32, #tpu.memory_space<hbm>>
        %dma_wait3A_513 = arith.constant 0 : i32
        %dma_wait3A_514 = tpu.memref_slice %arg4[%sub3A_502, %add3A_504, %dma_wait3A_513] : memref<26x16384x128xf32, #tpu.memory_space<hbm>> -> memref<1x64x128xf32, #tpu.memory_space<hbm>>
        %dma_wait3A_515 = tpu.memref_squeeze %dma_wait3A_514 : memref<1x64x128xf32, #tpu.memory_space<hbm>> -> memref<64x128xf32, #tpu.memory_space<hbm>>
        %dma_wait3A_516 = arith.constant 0 : i32
        %dma_wait3A_517 = arith.constant 0 : i32
        %dma_wait3A_518 = tpu.memref_slice %arg6[%dma_wait3A_505, %dma_wait3A_516, %dma_wait3A_517] : memref<8x64x128xf32, #tpu.memory_space<vmem>> -> memref<1x64x128xf32, #tpu.memory_space<vmem>>
        %dma_wait3A_519 = tpu.memref_squeeze %dma_wait3A_518 : memref<1x64x128xf32, #tpu.memory_space<vmem>> -> memref<64x128xf32, #tpu.memory_space<vmem>>
        tpu.wait_dma2 semaphore(%arg21 : memref<!tpu.dma_semaphore, #tpu.memory_space<semaphore_mem>>) src(%dma_wait3A_519 : memref<64x128xf32, #tpu.memory_space<vmem>>) dst(%dma_wait3A_515 : memref<64x128xf32, #tpu.memory_space<hbm>>)
      } else {
      }
      %dma_start3A_220 = arith.constant 6 : i32
      %dma_start3A_221 = arith.constant 0 : i32
      %dma_start3A_222 = arith.constant 0 : i32
      %dma_start3A_223 = tpu.memref_slice %arg6[%dma_start3A_220, %dma_start3A_221, %dma_start3A_222] : memref<8x64x128xf32, #tpu.memory_space<vmem>> -> memref<1x64x128xf32, #tpu.memory_space<vmem>>
      %dma_start3A_224 = tpu.memref_squeeze %dma_start3A_223 : memref<1x64x128xf32, #tpu.memory_space<vmem>> -> memref<64x128xf32, #tpu.memory_space<vmem>>
      %dma_start3A_225 = arith.constant 384 : i32
      %dma_start3A_226 = tpu.memref_slice %arg5[%add3A_129, %dma_start3A_225] : memref<26x512xi32, #tpu.memory_space<vmem>> -> memref<1x64xi32, #tpu.memory_space<vmem>>
      %dma_start3A_227 = tpu.memref_squeeze %dma_start3A_226 : memref<1x64xi32, #tpu.memory_space<vmem>> -> memref<64xi32, #tpu.memory_space<vmem>>
      %dma_start3A_228 = arith.constant 0 : i32
      %dma_start3A_229 = arith.constant 0 : i32
      %dma_start3A_230 = tpu.memref_slice %arg3[%dma_start3A_228, %dma_start3A_229] : memref<100000x128xf32, #tpu.memory_space<hbm>> -> memref<100000x128xf32, #tpu.memory_space<hbm>>
      tpu.enqueue_indirect_dma source(%dma_start3A_230 : memref<100000x128xf32, #tpu.memory_space<hbm>>) target(%dma_start3A_224 : memref<64x128xf32, #tpu.memory_space<vmem>>) offsets(%dma_start3A_227 : memref<64xi32, #tpu.memory_space<vmem>>) semaphore(%arg13 : memref<!tpu.dma_semaphore, #tpu.memory_space<semaphore_mem>>)
      %dma_wait3A_231 = arith.constant 2 : i32
      %dma_wait3A_232 = arith.constant 0 : i32
      %dma_wait3A_233 = arith.constant 0 : i32
      %dma_wait3A_234 = tpu.memref_slice %arg6[%dma_wait3A_231, %dma_wait3A_232, %dma_wait3A_233] : memref<8x64x128xf32, #tpu.memory_space<vmem>> -> memref<1x64x128xf32, #tpu.memory_space<vmem>>
      %dma_wait3A_235 = tpu.memref_squeeze %dma_wait3A_234 : memref<1x64x128xf32, #tpu.memory_space<vmem>> -> memref<64x128xf32, #tpu.memory_space<vmem>>
      %dma_wait3A_236 = arith.constant 128 : i32
      %dma_wait3A_237 = tpu.memref_slice %arg5[%add3A_129, %dma_wait3A_236] : memref<26x512xi32, #tpu.memory_space<vmem>> -> memref<1x64xi32, #tpu.memory_space<vmem>>
      %dma_wait3A_238 = tpu.memref_squeeze %dma_wait3A_237 : memref<1x64xi32, #tpu.memory_space<vmem>> -> memref<64xi32, #tpu.memory_space<vmem>>
      %dma_wait3A_239 = arith.constant 0 : i32
      %dma_wait3A_240 = arith.constant 0 : i32
      %dma_wait3A_241 = tpu.memref_slice %arg3[%dma_wait3A_239, %dma_wait3A_240] : memref<100000x128xf32, #tpu.memory_space<hbm>> -> memref<100000x128xf32, #tpu.memory_space<hbm>>
      tpu.wait_indirect_dma semaphore(%arg9 : memref<!tpu.dma_semaphore, #tpu.memory_space<semaphore_mem>>) src(%dma_wait3A_241 : memref<100000x128xf32, #tpu.memory_space<hbm>>) dst(%dma_wait3A_235 : memref<64x128xf32, #tpu.memory_space<vmem>>)
      %add3A_242 = arith.constant 128 : i32
      %add3A_243 = arith.addi %mul3A_2, %add3A_242 : i32
      %dma_start3A_244 = arith.constant 2 : i32
      %dma_start3A_245 = arith.constant 0 : i32
      %dma_start3A_246 = arith.constant 0 : i32
      %dma_start3A_247 = tpu.memref_slice %arg6[%dma_start3A_244, %dma_start3A_245, %dma_start3A_246] : memref<8x64x128xf32, #tpu.memory_space<vmem>> -> memref<1x64x128xf32, #tpu.memory_space<vmem>>
      %dma_start3A_248 = tpu.memref_squeeze %dma_start3A_247 : memref<1x64x128xf32, #tpu.memory_space<vmem>> -> memref<64x128xf32, #tpu.memory_space<vmem>>
      %dma_start3A_249 = arith.constant 0 : i32
      %dma_start3A_250 = tpu.memref_slice %arg4[%add3A_129, %add3A_243, %dma_start3A_249] : memref<26x16384x128xf32, #tpu.memory_space<hbm>> -> memref<1x64x128xf32, #tpu.memory_space<hbm>>
      %dma_start3A_251 = tpu.memref_squeeze %dma_start3A_250 : memref<1x64x128xf32, #tpu.memory_space<hbm>> -> memref<64x128xf32, #tpu.memory_space<hbm>>
      %dma_start3A_252 = arith.constant 0 : i32
      %dma_start3A_253 = tpu.memref_slice %arg4[%add3A_129, %add3A_243, %dma_start3A_252] : memref<26x16384x128xf32, #tpu.memory_space<hbm>> -> memref<1x64x128xf32, #tpu.memory_space<hbm>>
      %dma_start3A_254 = tpu.memref_squeeze %dma_start3A_253 : memref<1x64x128xf32, #tpu.memory_space<hbm>> -> memref<64x128xf32, #tpu.memory_space<hbm>>
      %dma_start3A_255 = arith.constant 0 : i32
      %dma_start3A_256 = arith.constant 0 : i32
      %dma_start3A_257 = tpu.memref_slice %arg6[%dma_start3A_244, %dma_start3A_255, %dma_start3A_256] : memref<8x64x128xf32, #tpu.memory_space<vmem>> -> memref<1x64x128xf32, #tpu.memory_space<vmem>>
      %dma_start3A_258 = tpu.memref_squeeze %dma_start3A_257 : memref<1x64x128xf32, #tpu.memory_space<vmem>> -> memref<64x128xf32, #tpu.memory_space<vmem>>
      tpu.enqueue_dma source(%dma_start3A_258 : memref<64x128xf32, #tpu.memory_space<vmem>>) target(%dma_start3A_254 : memref<64x128xf32, #tpu.memory_space<hbm>>) target_semaphore(%arg17 : memref<!tpu.dma_semaphore, #tpu.memory_space<semaphore_mem>>)
      %gt3A_259 = arith.constant 0 : i32
      %gt3A_260 = arith.cmpi sgt, %add3A_129, %gt3A_259 : i32
      %convert_element_type3A_261 = arith.extui %gt3A_260 : i1 to i32
      %cond3A_262 = arith.constant 0 : i32
      %cond3A_263 = arith.cmpi ne, %convert_element_type3A_261, %cond3A_262 : i32
      scf.if %cond3A_263 {
        %sub3A = arith.constant 1 : i32
        %sub3A_502 = arith.subi %add3A_129, %sub3A : i32
        %add3A_503 = arith.constant 448 : i32
        %add3A_504 = arith.addi %mul3A_2, %add3A_503 : i32
        %dma_wait3A_505 = arith.constant 7 : i32
        %dma_wait3A_506 = arith.constant 0 : i32
        %dma_wait3A_507 = arith.constant 0 : i32
        %dma_wait3A_508 = tpu.memref_slice %arg6[%dma_wait3A_505, %dma_wait3A_506, %dma_wait3A_507] : memref<8x64x128xf32, #tpu.memory_space<vmem>> -> memref<1x64x128xf32, #tpu.memory_space<vmem>>
        %dma_wait3A_509 = tpu.memref_squeeze %dma_wait3A_508 : memref<1x64x128xf32, #tpu.memory_space<vmem>> -> memref<64x128xf32, #tpu.memory_space<vmem>>
        %dma_wait3A_510 = arith.constant 0 : i32
        %dma_wait3A_511 = tpu.memref_slice %arg4[%sub3A_502, %add3A_504, %dma_wait3A_510] : memref<26x16384x128xf32, #tpu.memory_space<hbm>> -> memref<1x64x128xf32, #tpu.memory_space<hbm>>
        %dma_wait3A_512 = tpu.memref_squeeze %dma_wait3A_511 : memref<1x64x128xf32, #tpu.memory_space<hbm>> -> memref<64x128xf32, #tpu.memory_space<hbm>>
        %dma_wait3A_513 = arith.constant 0 : i32
        %dma_wait3A_514 = tpu.memref_slice %arg4[%sub3A_502, %add3A_504, %dma_wait3A_513] : memref<26x16384x128xf32, #tpu.memory_space<hbm>> -> memref<1x64x128xf32, #tpu.memory_space<hbm>>
        %dma_wait3A_515 = tpu.memref_squeeze %dma_wait3A_514 : memref<1x64x128xf32, #tpu.memory_space<hbm>> -> memref<64x128xf32, #tpu.memory_space<hbm>>
        %dma_wait3A_516 = arith.constant 0 : i32
        %dma_wait3A_517 = arith.constant 0 : i32
        %dma_wait3A_518 = tpu.memref_slice %arg6[%dma_wait3A_505, %dma_wait3A_516, %dma_wait3A_517] : memref<8x64x128xf32, #tpu.memory_space<vmem>> -> memref<1x64x128xf32, #tpu.memory_space<vmem>>
        %dma_wait3A_519 = tpu.memref_squeeze %dma_wait3A_518 : memref<1x64x128xf32, #tpu.memory_space<vmem>> -> memref<64x128xf32, #tpu.memory_space<vmem>>
        tpu.wait_dma2 semaphore(%arg22 : memref<!tpu.dma_semaphore, #tpu.memory_space<semaphore_mem>>) src(%dma_wait3A_519 : memref<64x128xf32, #tpu.memory_space<vmem>>) dst(%dma_wait3A_515 : memref<64x128xf32, #tpu.memory_space<hbm>>)
      } else {
      }
      %dma_start3A_264 = arith.constant 7 : i32
      %dma_start3A_265 = arith.constant 0 : i32
      %dma_start3A_266 = arith.constant 0 : i32
      %dma_start3A_267 = tpu.memref_slice %arg6[%dma_start3A_264, %dma_start3A_265, %dma_start3A_266] : memref<8x64x128xf32, #tpu.memory_space<vmem>> -> memref<1x64x128xf32, #tpu.memory_space<vmem>>
      %dma_start3A_268 = tpu.memref_squeeze %dma_start3A_267 : memref<1x64x128xf32, #tpu.memory_space<vmem>> -> memref<64x128xf32, #tpu.memory_space<vmem>>
      %dma_start3A_269 = arith.constant 448 : i32
      %dma_start3A_270 = tpu.memref_slice %arg5[%add3A_129, %dma_start3A_269] : memref<26x512xi32, #tpu.memory_space<vmem>> -> memref<1x64xi32, #tpu.memory_space<vmem>>
      %dma_start3A_271 = tpu.memref_squeeze %dma_start3A_270 : memref<1x64xi32, #tpu.memory_space<vmem>> -> memref<64xi32, #tpu.memory_space<vmem>>
      %dma_start3A_272 = arith.constant 0 : i32
      %dma_start3A_273 = arith.constant 0 : i32
      %dma_start3A_274 = tpu.memref_slice %arg3[%dma_start3A_272, %dma_start3A_273] : memref<100000x128xf32, #tpu.memory_space<hbm>> -> memref<100000x128xf32, #tpu.memory_space<hbm>>
      tpu.enqueue_indirect_dma source(%dma_start3A_274 : memref<100000x128xf32, #tpu.memory_space<hbm>>) target(%dma_start3A_268 : memref<64x128xf32, #tpu.memory_space<vmem>>) offsets(%dma_start3A_271 : memref<64xi32, #tpu.memory_space<vmem>>) semaphore(%arg14 : memref<!tpu.dma_semaphore, #tpu.memory_space<semaphore_mem>>)
      %dma_wait3A_275 = arith.constant 3 : i32
      %dma_wait3A_276 = arith.constant 0 : i32
      %dma_wait3A_277 = arith.constant 0 : i32
      %dma_wait3A_278 = tpu.memref_slice %arg6[%dma_wait3A_275, %dma_wait3A_276, %dma_wait3A_277] : memref<8x64x128xf32, #tpu.memory_space<vmem>> -> memref<1x64x128xf32, #tpu.memory_space<vmem>>
      %dma_wait3A_279 = tpu.memref_squeeze %dma_wait3A_278 : memref<1x64x128xf32, #tpu.memory_space<vmem>> -> memref<64x128xf32, #tpu.memory_space<vmem>>
      %dma_wait3A_280 = arith.constant 192 : i32
      %dma_wait3A_281 = tpu.memref_slice %arg5[%add3A_129, %dma_wait3A_280] : memref<26x512xi32, #tpu.memory_space<vmem>> -> memref<1x64xi32, #tpu.memory_space<vmem>>
      %dma_wait3A_282 = tpu.memref_squeeze %dma_wait3A_281 : memref<1x64xi32, #tpu.memory_space<vmem>> -> memref<64xi32, #tpu.memory_space<vmem>>
      %dma_wait3A_283 = arith.constant 0 : i32
      %dma_wait3A_284 = arith.constant 0 : i32
      %dma_wait3A_285 = tpu.memref_slice %arg3[%dma_wait3A_283, %dma_wait3A_284] : memref<100000x128xf32, #tpu.memory_space<hbm>> -> memref<100000x128xf32, #tpu.memory_space<hbm>>
      tpu.wait_indirect_dma semaphore(%arg10 : memref<!tpu.dma_semaphore, #tpu.memory_space<semaphore_mem>>) src(%dma_wait3A_285 : memref<100000x128xf32, #tpu.memory_space<hbm>>) dst(%dma_wait3A_279 : memref<64x128xf32, #tpu.memory_space<vmem>>)
      %add3A_286 = arith.constant 192 : i32
      %add3A_287 = arith.addi %mul3A_2, %add3A_286 : i32
      %dma_start3A_288 = arith.constant 3 : i32
      %dma_start3A_289 = arith.constant 0 : i32
      %dma_start3A_290 = arith.constant 0 : i32
      %dma_start3A_291 = tpu.memref_slice %arg6[%dma_start3A_288, %dma_start3A_289, %dma_start3A_290] : memref<8x64x128xf32, #tpu.memory_space<vmem>> -> memref<1x64x128xf32, #tpu.memory_space<vmem>>
      %dma_start3A_292 = tpu.memref_squeeze %dma_start3A_291 : memref<1x64x128xf32, #tpu.memory_space<vmem>> -> memref<64x128xf32, #tpu.memory_space<vmem>>
      %dma_start3A_293 = arith.constant 0 : i32
      %dma_start3A_294 = tpu.memref_slice %arg4[%add3A_129, %add3A_287, %dma_start3A_293] : memref<26x16384x128xf32, #tpu.memory_space<hbm>> -> memref<1x64x128xf32, #tpu.memory_space<hbm>>
      %dma_start3A_295 = tpu.memref_squeeze %dma_start3A_294 : memref<1x64x128xf32, #tpu.memory_space<hbm>> -> memref<64x128xf32, #tpu.memory_space<hbm>>
      %dma_start3A_296 = arith.constant 0 : i32
      %dma_start3A_297 = tpu.memref_slice %arg4[%add3A_129, %add3A_287, %dma_start3A_296] : memref<26x16384x128xf32, #tpu.memory_space<hbm>> -> memref<1x64x128xf32, #tpu.memory_space<hbm>>
      %dma_start3A_298 = tpu.memref_squeeze %dma_start3A_297 : memref<1x64x128xf32, #tpu.memory_space<hbm>> -> memref<64x128xf32, #tpu.memory_space<hbm>>
      %dma_start3A_299 = arith.constant 0 : i32
      %dma_start3A_300 = arith.constant 0 : i32
      %dma_start3A_301 = tpu.memref_slice %arg6[%dma_start3A_288, %dma_start3A_299, %dma_start3A_300] : memref<8x64x128xf32, #tpu.memory_space<vmem>> -> memref<1x64x128xf32, #tpu.memory_space<vmem>>
      %dma_start3A_302 = tpu.memref_squeeze %dma_start3A_301 : memref<1x64x128xf32, #tpu.memory_space<vmem>> -> memref<64x128xf32, #tpu.memory_space<vmem>>
      tpu.enqueue_dma source(%dma_start3A_302 : memref<64x128xf32, #tpu.memory_space<vmem>>) target(%dma_start3A_298 : memref<64x128xf32, #tpu.memory_space<hbm>>) target_semaphore(%arg18 : memref<!tpu.dma_semaphore, #tpu.memory_space<semaphore_mem>>)
      %add3A_303 = arith.constant 0 : i32
      %add3A_304 = arith.addi %mul3A_2, %add3A_303 : i32
      %dma_wait3A_305 = arith.constant 0 : i32
      %dma_wait3A_306 = arith.constant 0 : i32
      %dma_wait3A_307 = arith.constant 0 : i32
      %dma_wait3A_308 = tpu.memref_slice %arg6[%dma_wait3A_305, %dma_wait3A_306, %dma_wait3A_307] : memref<8x64x128xf32, #tpu.memory_space<vmem>> -> memref<1x64x128xf32, #tpu.memory_space<vmem>>
      %dma_wait3A_309 = tpu.memref_squeeze %dma_wait3A_308 : memref<1x64x128xf32, #tpu.memory_space<vmem>> -> memref<64x128xf32, #tpu.memory_space<vmem>>
      %dma_wait3A_310 = arith.constant 0 : i32
      %dma_wait3A_311 = tpu.memref_slice %arg4[%add3A_129, %add3A_304, %dma_wait3A_310] : memref<26x16384x128xf32, #tpu.memory_space<hbm>> -> memref<1x64x128xf32, #tpu.memory_space<hbm>>
      %dma_wait3A_312 = tpu.memref_squeeze %dma_wait3A_311 : memref<1x64x128xf32, #tpu.memory_space<hbm>> -> memref<64x128xf32, #tpu.memory_space<hbm>>
      %dma_wait3A_313 = arith.constant 0 : i32
      %dma_wait3A_314 = tpu.memref_slice %arg4[%add3A_129, %add3A_304, %dma_wait3A_313] : memref<26x16384x128xf32, #tpu.memory_space<hbm>> -> memref<1x64x128xf32, #tpu.memory_space<hbm>>
      %dma_wait3A_315 = tpu.memref_squeeze %dma_wait3A_314 : memref<1x64x128xf32, #tpu.memory_space<hbm>> -> memref<64x128xf32, #tpu.memory_space<hbm>>
      %dma_wait3A_316 = arith.constant 0 : i32
      %dma_wait3A_317 = arith.constant 0 : i32
      %dma_wait3A_318 = tpu.memref_slice %arg6[%dma_wait3A_305, %dma_wait3A_316, %dma_wait3A_317] : memref<8x64x128xf32, #tpu.memory_space<vmem>> -> memref<1x64x128xf32, #tpu.memory_space<vmem>>
      %dma_wait3A_319 = tpu.memref_squeeze %dma_wait3A_318 : memref<1x64x128xf32, #tpu.memory_space<vmem>> -> memref<64x128xf32, #tpu.memory_space<vmem>>
      tpu.wait_dma2 semaphore(%arg15 : memref<!tpu.dma_semaphore, #tpu.memory_space<semaphore_mem>>) src(%dma_wait3A_319 : memref<64x128xf32, #tpu.memory_space<vmem>>) dst(%dma_wait3A_315 : memref<64x128xf32, #tpu.memory_space<hbm>>)
      %lt3A = arith.constant 25 : i32
      %lt3A_320 = arith.cmpi slt, %add3A_129, %lt3A : i32
      %convert_element_type3A_321 = arith.extui %lt3A_320 : i1 to i32
      %cond3A_322 = arith.constant 0 : i32
      %cond3A_323 = arith.cmpi ne, %convert_element_type3A_321, %cond3A_322 : i32
      scf.if %cond3A_323 {
        %add3A_502 = arith.constant 1 : i32
        %add3A_503 = arith.addi %add3A_129, %add3A_502 : i32
        %dma_start3A_504 = arith.constant 0 : i32
        %dma_start3A_505 = arith.constant 0 : i32
        %dma_start3A_506 = arith.constant 0 : i32
        %dma_start3A_507 = tpu.memref_slice %arg6[%dma_start3A_504, %dma_start3A_505, %dma_start3A_506] : memref<8x64x128xf32, #tpu.memory_space<vmem>> -> memref<1x64x128xf32, #tpu.memory_space<vmem>>
        %dma_start3A_508 = tpu.memref_squeeze %dma_start3A_507 : memref<1x64x128xf32, #tpu.memory_space<vmem>> -> memref<64x128xf32, #tpu.memory_space<vmem>>
        %dma_start3A_509 = arith.constant 0 : i32
        %dma_start3A_510 = tpu.memref_slice %arg5[%add3A_503, %dma_start3A_509] : memref<26x512xi32, #tpu.memory_space<vmem>> -> memref<1x64xi32, #tpu.memory_space<vmem>>
        %dma_start3A_511 = tpu.memref_squeeze %dma_start3A_510 : memref<1x64xi32, #tpu.memory_space<vmem>> -> memref<64xi32, #tpu.memory_space<vmem>>
        %dma_start3A_512 = arith.constant 0 : i32
        %dma_start3A_513 = arith.constant 0 : i32
        %dma_start3A_514 = tpu.memref_slice %arg3[%dma_start3A_512, %dma_start3A_513] : memref<100000x128xf32, #tpu.memory_space<hbm>> -> memref<100000x128xf32, #tpu.memory_space<hbm>>
        tpu.enqueue_indirect_dma source(%dma_start3A_514 : memref<100000x128xf32, #tpu.memory_space<hbm>>) target(%dma_start3A_508 : memref<64x128xf32, #tpu.memory_space<vmem>>) offsets(%dma_start3A_511 : memref<64xi32, #tpu.memory_space<vmem>>) semaphore(%arg7 : memref<!tpu.dma_semaphore, #tpu.memory_space<semaphore_mem>>)
      } else {
      }
      %dma_wait3A_324 = arith.constant 4 : i32
      %dma_wait3A_325 = arith.constant 0 : i32
      %dma_wait3A_326 = arith.constant 0 : i32
      %dma_wait3A_327 = tpu.memref_slice %arg6[%dma_wait3A_324, %dma_wait3A_325, %dma_wait3A_326] : memref<8x64x128xf32, #tpu.memory_space<vmem>> -> memref<1x64x128xf32, #tpu.memory_space<vmem>>
      %dma_wait3A_328 = tpu.memref_squeeze %dma_wait3A_327 : memref<1x64x128xf32, #tpu.memory_space<vmem>> -> memref<64x128xf32, #tpu.memory_space<vmem>>
      %dma_wait3A_329 = arith.constant 256 : i32
      %dma_wait3A_330 = tpu.memref_slice %arg5[%add3A_129, %dma_wait3A_329] : memref<26x512xi32, #tpu.memory_space<vmem>> -> memref<1x64xi32, #tpu.memory_space<vmem>>
      %dma_wait3A_331 = tpu.memref_squeeze %dma_wait3A_330 : memref<1x64xi32, #tpu.memory_space<vmem>> -> memref<64xi32, #tpu.memory_space<vmem>>
      %dma_wait3A_332 = arith.constant 0 : i32
      %dma_wait3A_333 = arith.constant 0 : i32
      %dma_wait3A_334 = tpu.memref_slice %arg3[%dma_wait3A_332, %dma_wait3A_333] : memref<100000x128xf32, #tpu.memory_space<hbm>> -> memref<100000x128xf32, #tpu.memory_space<hbm>>
      tpu.wait_indirect_dma semaphore(%arg11 : memref<!tpu.dma_semaphore, #tpu.memory_space<semaphore_mem>>) src(%dma_wait3A_334 : memref<100000x128xf32, #tpu.memory_space<hbm>>) dst(%dma_wait3A_328 : memref<64x128xf32, #tpu.memory_space<vmem>>)
      %add3A_335 = arith.constant 256 : i32
      %add3A_336 = arith.addi %mul3A_2, %add3A_335 : i32
      %dma_start3A_337 = arith.constant 4 : i32
      %dma_start3A_338 = arith.constant 0 : i32
      %dma_start3A_339 = arith.constant 0 : i32
      %dma_start3A_340 = tpu.memref_slice %arg6[%dma_start3A_337, %dma_start3A_338, %dma_start3A_339] : memref<8x64x128xf32, #tpu.memory_space<vmem>> -> memref<1x64x128xf32, #tpu.memory_space<vmem>>
      %dma_start3A_341 = tpu.memref_squeeze %dma_start3A_340 : memref<1x64x128xf32, #tpu.memory_space<vmem>> -> memref<64x128xf32, #tpu.memory_space<vmem>>
      %dma_start3A_342 = arith.constant 0 : i32
      %dma_start3A_343 = tpu.memref_slice %arg4[%add3A_129, %add3A_336, %dma_start3A_342] : memref<26x16384x128xf32, #tpu.memory_space<hbm>> -> memref<1x64x128xf32, #tpu.memory_space<hbm>>
      %dma_start3A_344 = tpu.memref_squeeze %dma_start3A_343 : memref<1x64x128xf32, #tpu.memory_space<hbm>> -> memref<64x128xf32, #tpu.memory_space<hbm>>
      %dma_start3A_345 = arith.constant 0 : i32
      %dma_start3A_346 = tpu.memref_slice %arg4[%add3A_129, %add3A_336, %dma_start3A_345] : memref<26x16384x128xf32, #tpu.memory_space<hbm>> -> memref<1x64x128xf32, #tpu.memory_space<hbm>>
      %dma_start3A_347 = tpu.memref_squeeze %dma_start3A_346 : memref<1x64x128xf32, #tpu.memory_space<hbm>> -> memref<64x128xf32, #tpu.memory_space<hbm>>
      %dma_start3A_348 = arith.constant 0 : i32
      %dma_start3A_349 = arith.constant 0 : i32
      %dma_start3A_350 = tpu.memref_slice %arg6[%dma_start3A_337, %dma_start3A_348, %dma_start3A_349] : memref<8x64x128xf32, #tpu.memory_space<vmem>> -> memref<1x64x128xf32, #tpu.memory_space<vmem>>
      %dma_start3A_351 = tpu.memref_squeeze %dma_start3A_350 : memref<1x64x128xf32, #tpu.memory_space<vmem>> -> memref<64x128xf32, #tpu.memory_space<vmem>>
      tpu.enqueue_dma source(%dma_start3A_351 : memref<64x128xf32, #tpu.memory_space<vmem>>) target(%dma_start3A_347 : memref<64x128xf32, #tpu.memory_space<hbm>>) target_semaphore(%arg19 : memref<!tpu.dma_semaphore, #tpu.memory_space<semaphore_mem>>)
      %add3A_352 = arith.constant 64 : i32
      %add3A_353 = arith.addi %mul3A_2, %add3A_352 : i32
      %dma_wait3A_354 = arith.constant 1 : i32
      %dma_wait3A_355 = arith.constant 0 : i32
      %dma_wait3A_356 = arith.constant 0 : i32
      %dma_wait3A_357 = tpu.memref_slice %arg6[%dma_wait3A_354, %dma_wait3A_355, %dma_wait3A_356] : memref<8x64x128xf32, #tpu.memory_space<vmem>> -> memref<1x64x128xf32, #tpu.memory_space<vmem>>
      %dma_wait3A_358 = tpu.memref_squeeze %dma_wait3A_357 : memref<1x64x128xf32, #tpu.memory_space<vmem>> -> memref<64x128xf32, #tpu.memory_space<vmem>>
      %dma_wait3A_359 = arith.constant 0 : i32
      %dma_wait3A_360 = tpu.memref_slice %arg4[%add3A_129, %add3A_353, %dma_wait3A_359] : memref<26x16384x128xf32, #tpu.memory_space<hbm>> -> memref<1x64x128xf32, #tpu.memory_space<hbm>>
      %dma_wait3A_361 = tpu.memref_squeeze %dma_wait3A_360 : memref<1x64x128xf32, #tpu.memory_space<hbm>> -> memref<64x128xf32, #tpu.memory_space<hbm>>
      %dma_wait3A_362 = arith.constant 0 : i32
      %dma_wait3A_363 = tpu.memref_slice %arg4[%add3A_129, %add3A_353, %dma_wait3A_362] : memref<26x16384x128xf32, #tpu.memory_space<hbm>> -> memref<1x64x128xf32, #tpu.memory_space<hbm>>
      %dma_wait3A_364 = tpu.memref_squeeze %dma_wait3A_363 : memref<1x64x128xf32, #tpu.memory_space<hbm>> -> memref<64x128xf32, #tpu.memory_space<hbm>>
      %dma_wait3A_365 = arith.constant 0 : i32
      %dma_wait3A_366 = arith.constant 0 : i32
      %dma_wait3A_367 = tpu.memref_slice %arg6[%dma_wait3A_354, %dma_wait3A_365, %dma_wait3A_366] : memref<8x64x128xf32, #tpu.memory_space<vmem>> -> memref<1x64x128xf32, #tpu.memory_space<vmem>>
      %dma_wait3A_368 = tpu.memref_squeeze %dma_wait3A_367 : memref<1x64x128xf32, #tpu.memory_space<vmem>> -> memref<64x128xf32, #tpu.memory_space<vmem>>
      tpu.wait_dma2 semaphore(%arg16 : memref<!tpu.dma_semaphore, #tpu.memory_space<semaphore_mem>>) src(%dma_wait3A_368 : memref<64x128xf32, #tpu.memory_space<vmem>>) dst(%dma_wait3A_364 : memref<64x128xf32, #tpu.memory_space<hbm>>)
      %lt3A_369 = arith.constant 25 : i32
      %lt3A_370 = arith.cmpi slt, %add3A_129, %lt3A_369 : i32
      %convert_element_type3A_371 = arith.extui %lt3A_370 : i1 to i32
      %cond3A_372 = arith.constant 0 : i32
      %cond3A_373 = arith.cmpi ne, %convert_element_type3A_371, %cond3A_372 : i32
      scf.if %cond3A_373 {
        %add3A_502 = arith.constant 1 : i32
        %add3A_503 = arith.addi %add3A_129, %add3A_502 : i32
        %dma_start3A_504 = arith.constant 1 : i32
        %dma_start3A_505 = arith.constant 0 : i32
        %dma_start3A_506 = arith.constant 0 : i32
        %dma_start3A_507 = tpu.memref_slice %arg6[%dma_start3A_504, %dma_start3A_505, %dma_start3A_506] : memref<8x64x128xf32, #tpu.memory_space<vmem>> -> memref<1x64x128xf32, #tpu.memory_space<vmem>>
        %dma_start3A_508 = tpu.memref_squeeze %dma_start3A_507 : memref<1x64x128xf32, #tpu.memory_space<vmem>> -> memref<64x128xf32, #tpu.memory_space<vmem>>
        %dma_start3A_509 = arith.constant 64 : i32
        %dma_start3A_510 = tpu.memref_slice %arg5[%add3A_503, %dma_start3A_509] : memref<26x512xi32, #tpu.memory_space<vmem>> -> memref<1x64xi32, #tpu.memory_space<vmem>>
        %dma_start3A_511 = tpu.memref_squeeze %dma_start3A_510 : memref<1x64xi32, #tpu.memory_space<vmem>> -> memref<64xi32, #tpu.memory_space<vmem>>
        %dma_start3A_512 = arith.constant 0 : i32
        %dma_start3A_513 = arith.constant 0 : i32
        %dma_start3A_514 = tpu.memref_slice %arg3[%dma_start3A_512, %dma_start3A_513] : memref<100000x128xf32, #tpu.memory_space<hbm>> -> memref<100000x128xf32, #tpu.memory_space<hbm>>
        tpu.enqueue_indirect_dma source(%dma_start3A_514 : memref<100000x128xf32, #tpu.memory_space<hbm>>) target(%dma_start3A_508 : memref<64x128xf32, #tpu.memory_space<vmem>>) offsets(%dma_start3A_511 : memref<64xi32, #tpu.memory_space<vmem>>) semaphore(%arg8 : memref<!tpu.dma_semaphore, #tpu.memory_space<semaphore_mem>>)
      } else {
      }
      %dma_wait3A_374 = arith.constant 5 : i32
      %dma_wait3A_375 = arith.constant 0 : i32
      %dma_wait3A_376 = arith.constant 0 : i32
      %dma_wait3A_377 = tpu.memref_slice %arg6[%dma_wait3A_374, %dma_wait3A_375, %dma_wait3A_376] : memref<8x64x128xf32, #tpu.memory_space<vmem>> -> memref<1x64x128xf32, #tpu.memory_space<vmem>>
      %dma_wait3A_378 = tpu.memref_squeeze %dma_wait3A_377 : memref<1x64x128xf32, #tpu.memory_space<vmem>> -> memref<64x128xf32, #tpu.memory_space<vmem>>
      %dma_wait3A_379 = arith.constant 320 : i32
      %dma_wait3A_380 = tpu.memref_slice %arg5[%add3A_129, %dma_wait3A_379] : memref<26x512xi32, #tpu.memory_space<vmem>> -> memref<1x64xi32, #tpu.memory_space<vmem>>
      %dma_wait3A_381 = tpu.memref_squeeze %dma_wait3A_380 : memref<1x64xi32, #tpu.memory_space<vmem>> -> memref<64xi32, #tpu.memory_space<vmem>>
      %dma_wait3A_382 = arith.constant 0 : i32
      %dma_wait3A_383 = arith.constant 0 : i32
      %dma_wait3A_384 = tpu.memref_slice %arg3[%dma_wait3A_382, %dma_wait3A_383] : memref<100000x128xf32, #tpu.memory_space<hbm>> -> memref<100000x128xf32, #tpu.memory_space<hbm>>
      tpu.wait_indirect_dma semaphore(%arg12 : memref<!tpu.dma_semaphore, #tpu.memory_space<semaphore_mem>>) src(%dma_wait3A_384 : memref<100000x128xf32, #tpu.memory_space<hbm>>) dst(%dma_wait3A_378 : memref<64x128xf32, #tpu.memory_space<vmem>>)
      %add3A_385 = arith.constant 320 : i32
      %add3A_386 = arith.addi %mul3A_2, %add3A_385 : i32
      %dma_start3A_387 = arith.constant 5 : i32
      %dma_start3A_388 = arith.constant 0 : i32
      %dma_start3A_389 = arith.constant 0 : i32
      %dma_start3A_390 = tpu.memref_slice %arg6[%dma_start3A_387, %dma_start3A_388, %dma_start3A_389] : memref<8x64x128xf32, #tpu.memory_space<vmem>> -> memref<1x64x128xf32, #tpu.memory_space<vmem>>
      %dma_start3A_391 = tpu.memref_squeeze %dma_start3A_390 : memref<1x64x128xf32, #tpu.memory_space<vmem>> -> memref<64x128xf32, #tpu.memory_space<vmem>>
      %dma_start3A_392 = arith.constant 0 : i32
      %dma_start3A_393 = tpu.memref_slice %arg4[%add3A_129, %add3A_386, %dma_start3A_392] : memref<26x16384x128xf32, #tpu.memory_space<hbm>> -> memref<1x64x128xf32, #tpu.memory_space<hbm>>
      %dma_start3A_394 = tpu.memref_squeeze %dma_start3A_393 : memref<1x64x128xf32, #tpu.memory_space<hbm>> -> memref<64x128xf32, #tpu.memory_space<hbm>>
      %dma_start3A_395 = arith.constant 0 : i32
      %dma_start3A_396 = tpu.memref_slice %arg4[%add3A_129, %add3A_386, %dma_start3A_395] : memref<26x16384x128xf32, #tpu.memory_space<hbm>> -> memref<1x64x128xf32, #tpu.memory_space<hbm>>
      %dma_start3A_397 = tpu.memref_squeeze %dma_start3A_396 : memref<1x64x128xf32, #tpu.memory_space<hbm>> -> memref<64x128xf32, #tpu.memory_space<hbm>>
      %dma_start3A_398 = arith.constant 0 : i32
      %dma_start3A_399 = arith.constant 0 : i32
      %dma_start3A_400 = tpu.memref_slice %arg6[%dma_start3A_387, %dma_start3A_398, %dma_start3A_399] : memref<8x64x128xf32, #tpu.memory_space<vmem>> -> memref<1x64x128xf32, #tpu.memory_space<vmem>>
      %dma_start3A_401 = tpu.memref_squeeze %dma_start3A_400 : memref<1x64x128xf32, #tpu.memory_space<vmem>> -> memref<64x128xf32, #tpu.memory_space<vmem>>
      tpu.enqueue_dma source(%dma_start3A_401 : memref<64x128xf32, #tpu.memory_space<vmem>>) target(%dma_start3A_397 : memref<64x128xf32, #tpu.memory_space<hbm>>) target_semaphore(%arg20 : memref<!tpu.dma_semaphore, #tpu.memory_space<semaphore_mem>>)
      %add3A_402 = arith.constant 128 : i32
      %add3A_403 = arith.addi %mul3A_2, %add3A_402 : i32
      %dma_wait3A_404 = arith.constant 2 : i32
      %dma_wait3A_405 = arith.constant 0 : i32
      %dma_wait3A_406 = arith.constant 0 : i32
      %dma_wait3A_407 = tpu.memref_slice %arg6[%dma_wait3A_404, %dma_wait3A_405, %dma_wait3A_406] : memref<8x64x128xf32, #tpu.memory_space<vmem>> -> memref<1x64x128xf32, #tpu.memory_space<vmem>>
      %dma_wait3A_408 = tpu.memref_squeeze %dma_wait3A_407 : memref<1x64x128xf32, #tpu.memory_space<vmem>> -> memref<64x128xf32, #tpu.memory_space<vmem>>
      %dma_wait3A_409 = arith.constant 0 : i32
      %dma_wait3A_410 = tpu.memref_slice %arg4[%add3A_129, %add3A_403, %dma_wait3A_409] : memref<26x16384x128xf32, #tpu.memory_space<hbm>> -> memref<1x64x128xf32, #tpu.memory_space<hbm>>
      %dma_wait3A_411 = tpu.memref_squeeze %dma_wait3A_410 : memref<1x64x128xf32, #tpu.memory_space<hbm>> -> memref<64x128xf32, #tpu.memory_space<hbm>>
      %dma_wait3A_412 = arith.constant 0 : i32
      %dma_wait3A_413 = tpu.memref_slice %arg4[%add3A_129, %add3A_403, %dma_wait3A_412] : memref<26x16384x128xf32, #tpu.memory_space<hbm>> -> memref<1x64x128xf32, #tpu.memory_space<hbm>>
      %dma_wait3A_414 = tpu.memref_squeeze %dma_wait3A_413 : memref<1x64x128xf32, #tpu.memory_space<hbm>> -> memref<64x128xf32, #tpu.memory_space<hbm>>
      %dma_wait3A_415 = arith.constant 0 : i32
      %dma_wait3A_416 = arith.constant 0 : i32
      %dma_wait3A_417 = tpu.memref_slice %arg6[%dma_wait3A_404, %dma_wait3A_415, %dma_wait3A_416] : memref<8x64x128xf32, #tpu.memory_space<vmem>> -> memref<1x64x128xf32, #tpu.memory_space<vmem>>
      %dma_wait3A_418 = tpu.memref_squeeze %dma_wait3A_417 : memref<1x64x128xf32, #tpu.memory_space<vmem>> -> memref<64x128xf32, #tpu.memory_space<vmem>>
      tpu.wait_dma2 semaphore(%arg17 : memref<!tpu.dma_semaphore, #tpu.memory_space<semaphore_mem>>) src(%dma_wait3A_418 : memref<64x128xf32, #tpu.memory_space<vmem>>) dst(%dma_wait3A_414 : memref<64x128xf32, #tpu.memory_space<hbm>>)
      %lt3A_419 = arith.constant 25 : i32
      %lt3A_420 = arith.cmpi slt, %add3A_129, %lt3A_419 : i32
      %convert_element_type3A_421 = arith.extui %lt3A_420 : i1 to i32
      %cond3A_422 = arith.constant 0 : i32
      %cond3A_423 = arith.cmpi ne, %convert_element_type3A_421, %cond3A_422 : i32
      scf.if %cond3A_423 {
        %add3A_502 = arith.constant 1 : i32
        %add3A_503 = arith.addi %add3A_129, %add3A_502 : i32
        %dma_start3A_504 = arith.constant 2 : i32
        %dma_start3A_505 = arith.constant 0 : i32
        %dma_start3A_506 = arith.constant 0 : i32
        %dma_start3A_507 = tpu.memref_slice %arg6[%dma_start3A_504, %dma_start3A_505, %dma_start3A_506] : memref<8x64x128xf32, #tpu.memory_space<vmem>> -> memref<1x64x128xf32, #tpu.memory_space<vmem>>
        %dma_start3A_508 = tpu.memref_squeeze %dma_start3A_507 : memref<1x64x128xf32, #tpu.memory_space<vmem>> -> memref<64x128xf32, #tpu.memory_space<vmem>>
        %dma_start3A_509 = arith.constant 128 : i32
        %dma_start3A_510 = tpu.memref_slice %arg5[%add3A_503, %dma_start3A_509] : memref<26x512xi32, #tpu.memory_space<vmem>> -> memref<1x64xi32, #tpu.memory_space<vmem>>
        %dma_start3A_511 = tpu.memref_squeeze %dma_start3A_510 : memref<1x64xi32, #tpu.memory_space<vmem>> -> memref<64xi32, #tpu.memory_space<vmem>>
        %dma_start3A_512 = arith.constant 0 : i32
        %dma_start3A_513 = arith.constant 0 : i32
        %dma_start3A_514 = tpu.memref_slice %arg3[%dma_start3A_512, %dma_start3A_513] : memref<100000x128xf32, #tpu.memory_space<hbm>> -> memref<100000x128xf32, #tpu.memory_space<hbm>>
        tpu.enqueue_indirect_dma source(%dma_start3A_514 : memref<100000x128xf32, #tpu.memory_space<hbm>>) target(%dma_start3A_508 : memref<64x128xf32, #tpu.memory_space<vmem>>) offsets(%dma_start3A_511 : memref<64xi32, #tpu.memory_space<vmem>>) semaphore(%arg9 : memref<!tpu.dma_semaphore, #tpu.memory_space<semaphore_mem>>)
      } else {
      }
      %dma_wait3A_424 = arith.constant 6 : i32
      %dma_wait3A_425 = arith.constant 0 : i32
      %dma_wait3A_426 = arith.constant 0 : i32
      %dma_wait3A_427 = tpu.memref_slice %arg6[%dma_wait3A_424, %dma_wait3A_425, %dma_wait3A_426] : memref<8x64x128xf32, #tpu.memory_space<vmem>> -> memref<1x64x128xf32, #tpu.memory_space<vmem>>
      %dma_wait3A_428 = tpu.memref_squeeze %dma_wait3A_427 : memref<1x64x128xf32, #tpu.memory_space<vmem>> -> memref<64x128xf32, #tpu.memory_space<vmem>>
      %dma_wait3A_429 = arith.constant 384 : i32
      %dma_wait3A_430 = tpu.memref_slice %arg5[%add3A_129, %dma_wait3A_429] : memref<26x512xi32, #tpu.memory_space<vmem>> -> memref<1x64xi32, #tpu.memory_space<vmem>>
      %dma_wait3A_431 = tpu.memref_squeeze %dma_wait3A_430 : memref<1x64xi32, #tpu.memory_space<vmem>> -> memref<64xi32, #tpu.memory_space<vmem>>
      %dma_wait3A_432 = arith.constant 0 : i32
      %dma_wait3A_433 = arith.constant 0 : i32
      %dma_wait3A_434 = tpu.memref_slice %arg3[%dma_wait3A_432, %dma_wait3A_433] : memref<100000x128xf32, #tpu.memory_space<hbm>> -> memref<100000x128xf32, #tpu.memory_space<hbm>>
      tpu.wait_indirect_dma semaphore(%arg13 : memref<!tpu.dma_semaphore, #tpu.memory_space<semaphore_mem>>) src(%dma_wait3A_434 : memref<100000x128xf32, #tpu.memory_space<hbm>>) dst(%dma_wait3A_428 : memref<64x128xf32, #tpu.memory_space<vmem>>)
      %add3A_435 = arith.constant 384 : i32
      %add3A_436 = arith.addi %mul3A_2, %add3A_435 : i32
      %dma_start3A_437 = arith.constant 6 : i32
      %dma_start3A_438 = arith.constant 0 : i32
      %dma_start3A_439 = arith.constant 0 : i32
      %dma_start3A_440 = tpu.memref_slice %arg6[%dma_start3A_437, %dma_start3A_438, %dma_start3A_439] : memref<8x64x128xf32, #tpu.memory_space<vmem>> -> memref<1x64x128xf32, #tpu.memory_space<vmem>>
      %dma_start3A_441 = tpu.memref_squeeze %dma_start3A_440 : memref<1x64x128xf32, #tpu.memory_space<vmem>> -> memref<64x128xf32, #tpu.memory_space<vmem>>
      %dma_start3A_442 = arith.constant 0 : i32
      %dma_start3A_443 = tpu.memref_slice %arg4[%add3A_129, %add3A_436, %dma_start3A_442] : memref<26x16384x128xf32, #tpu.memory_space<hbm>> -> memref<1x64x128xf32, #tpu.memory_space<hbm>>
      %dma_start3A_444 = tpu.memref_squeeze %dma_start3A_443 : memref<1x64x128xf32, #tpu.memory_space<hbm>> -> memref<64x128xf32, #tpu.memory_space<hbm>>
      %dma_start3A_445 = arith.constant 0 : i32
      %dma_start3A_446 = tpu.memref_slice %arg4[%add3A_129, %add3A_436, %dma_start3A_445] : memref<26x16384x128xf32, #tpu.memory_space<hbm>> -> memref<1x64x128xf32, #tpu.memory_space<hbm>>
      %dma_start3A_447 = tpu.memref_squeeze %dma_start3A_446 : memref<1x64x128xf32, #tpu.memory_space<hbm>> -> memref<64x128xf32, #tpu.memory_space<hbm>>
      %dma_start3A_448 = arith.constant 0 : i32
      %dma_start3A_449 = arith.constant 0 : i32
      %dma_start3A_450 = tpu.memref_slice %arg6[%dma_start3A_437, %dma_start3A_448, %dma_start3A_449] : memref<8x64x128xf32, #tpu.memory_space<vmem>> -> memref<1x64x128xf32, #tpu.memory_space<vmem>>
      %dma_start3A_451 = tpu.memref_squeeze %dma_start3A_450 : memref<1x64x128xf32, #tpu.memory_space<vmem>> -> memref<64x128xf32, #tpu.memory_space<vmem>>
      tpu.enqueue_dma source(%dma_start3A_451 : memref<64x128xf32, #tpu.memory_space<vmem>>) target(%dma_start3A_447 : memref<64x128xf32, #tpu.memory_space<hbm>>) target_semaphore(%arg21 : memref<!tpu.dma_semaphore, #tpu.memory_space<semaphore_mem>>)
      %add3A_452 = arith.constant 192 : i32
      %add3A_453 = arith.addi %mul3A_2, %add3A_452 : i32
      %dma_wait3A_454 = arith.constant 3 : i32
      %dma_wait3A_455 = arith.constant 0 : i32
      %dma_wait3A_456 = arith.constant 0 : i32
      %dma_wait3A_457 = tpu.memref_slice %arg6[%dma_wait3A_454, %dma_wait3A_455, %dma_wait3A_456] : memref<8x64x128xf32, #tpu.memory_space<vmem>> -> memref<1x64x128xf32, #tpu.memory_space<vmem>>
      %dma_wait3A_458 = tpu.memref_squeeze %dma_wait3A_457 : memref<1x64x128xf32, #tpu.memory_space<vmem>> -> memref<64x128xf32, #tpu.memory_space<vmem>>
      %dma_wait3A_459 = arith.constant 0 : i32
      %dma_wait3A_460 = tpu.memref_slice %arg4[%add3A_129, %add3A_453, %dma_wait3A_459] : memref<26x16384x128xf32, #tpu.memory_space<hbm>> -> memref<1x64x128xf32, #tpu.memory_space<hbm>>
      %dma_wait3A_461 = tpu.memref_squeeze %dma_wait3A_460 : memref<1x64x128xf32, #tpu.memory_space<hbm>> -> memref<64x128xf32, #tpu.memory_space<hbm>>
      %dma_wait3A_462 = arith.constant 0 : i32
      %dma_wait3A_463 = tpu.memref_slice %arg4[%add3A_129, %add3A_453, %dma_wait3A_462] : memref<26x16384x128xf32, #tpu.memory_space<hbm>> -> memref<1x64x128xf32, #tpu.memory_space<hbm>>
      %dma_wait3A_464 = tpu.memref_squeeze %dma_wait3A_463 : memref<1x64x128xf32, #tpu.memory_space<hbm>> -> memref<64x128xf32, #tpu.memory_space<hbm>>
      %dma_wait3A_465 = arith.constant 0 : i32
      %dma_wait3A_466 = arith.constant 0 : i32
      %dma_wait3A_467 = tpu.memref_slice %arg6[%dma_wait3A_454, %dma_wait3A_465, %dma_wait3A_466] : memref<8x64x128xf32, #tpu.memory_space<vmem>> -> memref<1x64x128xf32, #tpu.memory_space<vmem>>
      %dma_wait3A_468 = tpu.memref_squeeze %dma_wait3A_467 : memref<1x64x128xf32, #tpu.memory_space<vmem>> -> memref<64x128xf32, #tpu.memory_space<vmem>>
      tpu.wait_dma2 semaphore(%arg18 : memref<!tpu.dma_semaphore, #tpu.memory_space<semaphore_mem>>) src(%dma_wait3A_468 : memref<64x128xf32, #tpu.memory_space<vmem>>) dst(%dma_wait3A_464 : memref<64x128xf32, #tpu.memory_space<hbm>>)
      %lt3A_469 = arith.constant 25 : i32
      %lt3A_470 = arith.cmpi slt, %add3A_129, %lt3A_469 : i32
      %convert_element_type3A_471 = arith.extui %lt3A_470 : i1 to i32
      %cond3A_472 = arith.constant 0 : i32
      %cond3A_473 = arith.cmpi ne, %convert_element_type3A_471, %cond3A_472 : i32
      scf.if %cond3A_473 {
        %add3A_502 = arith.constant 1 : i32
        %add3A_503 = arith.addi %add3A_129, %add3A_502 : i32
        %dma_start3A_504 = arith.constant 3 : i32
        %dma_start3A_505 = arith.constant 0 : i32
        %dma_start3A_506 = arith.constant 0 : i32
        %dma_start3A_507 = tpu.memref_slice %arg6[%dma_start3A_504, %dma_start3A_505, %dma_start3A_506] : memref<8x64x128xf32, #tpu.memory_space<vmem>> -> memref<1x64x128xf32, #tpu.memory_space<vmem>>
        %dma_start3A_508 = tpu.memref_squeeze %dma_start3A_507 : memref<1x64x128xf32, #tpu.memory_space<vmem>> -> memref<64x128xf32, #tpu.memory_space<vmem>>
        %dma_start3A_509 = arith.constant 192 : i32
        %dma_start3A_510 = tpu.memref_slice %arg5[%add3A_503, %dma_start3A_509] : memref<26x512xi32, #tpu.memory_space<vmem>> -> memref<1x64xi32, #tpu.memory_space<vmem>>
        %dma_start3A_511 = tpu.memref_squeeze %dma_start3A_510 : memref<1x64xi32, #tpu.memory_space<vmem>> -> memref<64xi32, #tpu.memory_space<vmem>>
        %dma_start3A_512 = arith.constant 0 : i32
        %dma_start3A_513 = arith.constant 0 : i32
        %dma_start3A_514 = tpu.memref_slice %arg3[%dma_start3A_512, %dma_start3A_513] : memref<100000x128xf32, #tpu.memory_space<hbm>> -> memref<100000x128xf32, #tpu.memory_space<hbm>>
        tpu.enqueue_indirect_dma source(%dma_start3A_514 : memref<100000x128xf32, #tpu.memory_space<hbm>>) target(%dma_start3A_508 : memref<64x128xf32, #tpu.memory_space<vmem>>) offsets(%dma_start3A_511 : memref<64xi32, #tpu.memory_space<vmem>>) semaphore(%arg10 : memref<!tpu.dma_semaphore, #tpu.memory_space<semaphore_mem>>)
      } else {
      }
      %dma_wait3A_474 = arith.constant 7 : i32
      %dma_wait3A_475 = arith.constant 0 : i32
      %dma_wait3A_476 = arith.constant 0 : i32
      %dma_wait3A_477 = tpu.memref_slice %arg6[%dma_wait3A_474, %dma_wait3A_475, %dma_wait3A_476] : memref<8x64x128xf32, #tpu.memory_space<vmem>> -> memref<1x64x128xf32, #tpu.memory_space<vmem>>
      %dma_wait3A_478 = tpu.memref_squeeze %dma_wait3A_477 : memref<1x64x128xf32, #tpu.memory_space<vmem>> -> memref<64x128xf32, #tpu.memory_space<vmem>>
      %dma_wait3A_479 = arith.constant 448 : i32
      %dma_wait3A_480 = tpu.memref_slice %arg5[%add3A_129, %dma_wait3A_479] : memref<26x512xi32, #tpu.memory_space<vmem>> -> memref<1x64xi32, #tpu.memory_space<vmem>>
      %dma_wait3A_481 = tpu.memref_squeeze %dma_wait3A_480 : memref<1x64xi32, #tpu.memory_space<vmem>> -> memref<64xi32, #tpu.memory_space<vmem>>
      %dma_wait3A_482 = arith.constant 0 : i32
      %dma_wait3A_483 = arith.constant 0 : i32
      %dma_wait3A_484 = tpu.memref_slice %arg3[%dma_wait3A_482, %dma_wait3A_483] : memref<100000x128xf32, #tpu.memory_space<hbm>> -> memref<100000x128xf32, #tpu.memory_space<hbm>>
      tpu.wait_indirect_dma semaphore(%arg14 : memref<!tpu.dma_semaphore, #tpu.memory_space<semaphore_mem>>) src(%dma_wait3A_484 : memref<100000x128xf32, #tpu.memory_space<hbm>>) dst(%dma_wait3A_478 : memref<64x128xf32, #tpu.memory_space<vmem>>)
      %add3A_485 = arith.constant 448 : i32
      %add3A_486 = arith.addi %mul3A_2, %add3A_485 : i32
      %dma_start3A_487 = arith.constant 7 : i32
      %dma_start3A_488 = arith.constant 0 : i32
      %dma_start3A_489 = arith.constant 0 : i32
      %dma_start3A_490 = tpu.memref_slice %arg6[%dma_start3A_487, %dma_start3A_488, %dma_start3A_489] : memref<8x64x128xf32, #tpu.memory_space<vmem>> -> memref<1x64x128xf32, #tpu.memory_space<vmem>>
      %dma_start3A_491 = tpu.memref_squeeze %dma_start3A_490 : memref<1x64x128xf32, #tpu.memory_space<vmem>> -> memref<64x128xf32, #tpu.memory_space<vmem>>
      %dma_start3A_492 = arith.constant 0 : i32
      %dma_start3A_493 = tpu.memref_slice %arg4[%add3A_129, %add3A_486, %dma_start3A_492] : memref<26x16384x128xf32, #tpu.memory_space<hbm>> -> memref<1x64x128xf32, #tpu.memory_space<hbm>>
      %dma_start3A_494 = tpu.memref_squeeze %dma_start3A_493 : memref<1x64x128xf32, #tpu.memory_space<hbm>> -> memref<64x128xf32, #tpu.memory_space<hbm>>
      %dma_start3A_495 = arith.constant 0 : i32
      %dma_start3A_496 = tpu.memref_slice %arg4[%add3A_129, %add3A_486, %dma_start3A_495] : memref<26x16384x128xf32, #tpu.memory_space<hbm>> -> memref<1x64x128xf32, #tpu.memory_space<hbm>>
      %dma_start3A_497 = tpu.memref_squeeze %dma_start3A_496 : memref<1x64x128xf32, #tpu.memory_space<hbm>> -> memref<64x128xf32, #tpu.memory_space<hbm>>
      %dma_start3A_498 = arith.constant 0 : i32
      %dma_start3A_499 = arith.constant 0 : i32
      %dma_start3A_500 = tpu.memref_slice %arg6[%dma_start3A_487, %dma_start3A_498, %dma_start3A_499] : memref<8x64x128xf32, #tpu.memory_space<vmem>> -> memref<1x64x128xf32, #tpu.memory_space<vmem>>
      %dma_start3A_501 = tpu.memref_squeeze %dma_start3A_500 : memref<1x64x128xf32, #tpu.memory_space<vmem>> -> memref<64x128xf32, #tpu.memory_space<vmem>>
      tpu.enqueue_dma source(%dma_start3A_501 : memref<64x128xf32, #tpu.memory_space<vmem>>) target(%dma_start3A_497 : memref<64x128xf32, #tpu.memory_space<hbm>>) target_semaphore(%arg22 : memref<!tpu.dma_semaphore, #tpu.memory_space<semaphore_mem>>)
    }
    %scan3A_53 = arith.constant 26 : i32
    %add3A_54 = arith.constant 256 : i32
    %add3A_55 = arith.addi %mul3A_2, %add3A_54 : i32
    %dma_wait3A = arith.constant 4 : i32
    %dma_wait3A_56 = arith.constant 25 : i32
    %dma_wait3A_57 = arith.constant 0 : i32
    %dma_wait3A_58 = arith.constant 0 : i32
    %dma_wait3A_59 = tpu.memref_slice %arg6[%dma_wait3A, %dma_wait3A_57, %dma_wait3A_58] : memref<8x64x128xf32, #tpu.memory_space<vmem>> -> memref<1x64x128xf32, #tpu.memory_space<vmem>>
    %dma_wait3A_60 = tpu.memref_squeeze %dma_wait3A_59 : memref<1x64x128xf32, #tpu.memory_space<vmem>> -> memref<64x128xf32, #tpu.memory_space<vmem>>
    %dma_wait3A_61 = arith.constant 0 : i32
    %dma_wait3A_62 = tpu.memref_slice %arg4[%dma_wait3A_56, %add3A_55, %dma_wait3A_61] : memref<26x16384x128xf32, #tpu.memory_space<hbm>> -> memref<1x64x128xf32, #tpu.memory_space<hbm>>
    %dma_wait3A_63 = tpu.memref_squeeze %dma_wait3A_62 : memref<1x64x128xf32, #tpu.memory_space<hbm>> -> memref<64x128xf32, #tpu.memory_space<hbm>>
    %dma_wait3A_64 = arith.constant 0 : i32
    %dma_wait3A_65 = tpu.memref_slice %arg4[%dma_wait3A_56, %add3A_55, %dma_wait3A_64] : memref<26x16384x128xf32, #tpu.memory_space<hbm>> -> memref<1x64x128xf32, #tpu.memory_space<hbm>>
    %dma_wait3A_66 = tpu.memref_squeeze %dma_wait3A_65 : memref<1x64x128xf32, #tpu.memory_space<hbm>> -> memref<64x128xf32, #tpu.memory_space<hbm>>
    %dma_wait3A_67 = arith.constant 0 : i32
    %dma_wait3A_68 = arith.constant 0 : i32
    %dma_wait3A_69 = tpu.memref_slice %arg6[%dma_wait3A, %dma_wait3A_67, %dma_wait3A_68] : memref<8x64x128xf32, #tpu.memory_space<vmem>> -> memref<1x64x128xf32, #tpu.memory_space<vmem>>
    %dma_wait3A_70 = tpu.memref_squeeze %dma_wait3A_69 : memref<1x64x128xf32, #tpu.memory_space<vmem>> -> memref<64x128xf32, #tpu.memory_space<vmem>>
    tpu.wait_dma2 semaphore(%arg19 : memref<!tpu.dma_semaphore, #tpu.memory_space<semaphore_mem>>) src(%dma_wait3A_70 : memref<64x128xf32, #tpu.memory_space<vmem>>) dst(%dma_wait3A_66 : memref<64x128xf32, #tpu.memory_space<hbm>>)
    %add3A_71 = arith.constant 320 : i32
    %add3A_72 = arith.addi %mul3A_2, %add3A_71 : i32
    %dma_wait3A_73 = arith.constant 5 : i32
    %dma_wait3A_74 = arith.constant 25 : i32
    %dma_wait3A_75 = arith.constant 0 : i32
    %dma_wait3A_76 = arith.constant 0 : i32
    %dma_wait3A_77 = tpu.memref_slice %arg6[%dma_wait3A_73, %dma_wait3A_75, %dma_wait3A_76] : memref<8x64x128xf32, #tpu.memory_space<vmem>> -> memref<1x64x128xf32, #tpu.memory_space<vmem>>
    %dma_wait3A_78 = tpu.memref_squeeze %dma_wait3A_77 : memref<1x64x128xf32, #tpu.memory_space<vmem>> -> memref<64x128xf32, #tpu.memory_space<vmem>>
    %dma_wait3A_79 = arith.constant 0 : i32
    %dma_wait3A_80 = tpu.memref_slice %arg4[%dma_wait3A_74, %add3A_72, %dma_wait3A_79] : memref<26x16384x128xf32, #tpu.memory_space<hbm>> -> memref<1x64x128xf32, #tpu.memory_space<hbm>>
    %dma_wait3A_81 = tpu.memref_squeeze %dma_wait3A_80 : memref<1x64x128xf32, #tpu.memory_space<hbm>> -> memref<64x128xf32, #tpu.memory_space<hbm>>
    %dma_wait3A_82 = arith.constant 0 : i32
    %dma_wait3A_83 = tpu.memref_slice %arg4[%dma_wait3A_74, %add3A_72, %dma_wait3A_82] : memref<26x16384x128xf32, #tpu.memory_space<hbm>> -> memref<1x64x128xf32, #tpu.memory_space<hbm>>
    %dma_wait3A_84 = tpu.memref_squeeze %dma_wait3A_83 : memref<1x64x128xf32, #tpu.memory_space<hbm>> -> memref<64x128xf32, #tpu.memory_space<hbm>>
    %dma_wait3A_85 = arith.constant 0 : i32
    %dma_wait3A_86 = arith.constant 0 : i32
    %dma_wait3A_87 = tpu.memref_slice %arg6[%dma_wait3A_73, %dma_wait3A_85, %dma_wait3A_86] : memref<8x64x128xf32, #tpu.memory_space<vmem>> -> memref<1x64x128xf32, #tpu.memory_space<vmem>>
    %dma_wait3A_88 = tpu.memref_squeeze %dma_wait3A_87 : memref<1x64x128xf32, #tpu.memory_space<vmem>> -> memref<64x128xf32, #tpu.memory_space<vmem>>
    tpu.wait_dma2 semaphore(%arg20 : memref<!tpu.dma_semaphore, #tpu.memory_space<semaphore_mem>>) src(%dma_wait3A_88 : memref<64x128xf32, #tpu.memory_space<vmem>>) dst(%dma_wait3A_84 : memref<64x128xf32, #tpu.memory_space<hbm>>)
    %add3A_89 = arith.constant 384 : i32
    %add3A_90 = arith.addi %mul3A_2, %add3A_89 : i32
    %dma_wait3A_91 = arith.constant 6 : i32
    %dma_wait3A_92 = arith.constant 25 : i32
    %dma_wait3A_93 = arith.constant 0 : i32
    %dma_wait3A_94 = arith.constant 0 : i32
    %dma_wait3A_95 = tpu.memref_slice %arg6[%dma_wait3A_91, %dma_wait3A_93, %dma_wait3A_94] : memref<8x64x128xf32, #tpu.memory_space<vmem>> -> memref<1x64x128xf32, #tpu.memory_space<vmem>>
    %dma_wait3A_96 = tpu.memref_squeeze %dma_wait3A_95 : memref<1x64x128xf32, #tpu.memory_space<vmem>> -> memref<64x128xf32, #tpu.memory_space<vmem>>
    %dma_wait3A_97 = arith.constant 0 : i32
    %dma_wait3A_98 = tpu.memref_slice %arg4[%dma_wait3A_92, %add3A_90, %dma_wait3A_97] : memref<26x16384x128xf32, #tpu.memory_space<hbm>> -> memref<1x64x128xf32, #tpu.memory_space<hbm>>
    %dma_wait3A_99 = tpu.memref_squeeze %dma_wait3A_98 : memref<1x64x128xf32, #tpu.memory_space<hbm>> -> memref<64x128xf32, #tpu.memory_space<hbm>>
    %dma_wait3A_100 = arith.constant 0 : i32
    %dma_wait3A_101 = tpu.memref_slice %arg4[%dma_wait3A_92, %add3A_90, %dma_wait3A_100] : memref<26x16384x128xf32, #tpu.memory_space<hbm>> -> memref<1x64x128xf32, #tpu.memory_space<hbm>>
    %dma_wait3A_102 = tpu.memref_squeeze %dma_wait3A_101 : memref<1x64x128xf32, #tpu.memory_space<hbm>> -> memref<64x128xf32, #tpu.memory_space<hbm>>
    %dma_wait3A_103 = arith.constant 0 : i32
    %dma_wait3A_104 = arith.constant 0 : i32
    %dma_wait3A_105 = tpu.memref_slice %arg6[%dma_wait3A_91, %dma_wait3A_103, %dma_wait3A_104] : memref<8x64x128xf32, #tpu.memory_space<vmem>> -> memref<1x64x128xf32, #tpu.memory_space<vmem>>
    %dma_wait3A_106 = tpu.memref_squeeze %dma_wait3A_105 : memref<1x64x128xf32, #tpu.memory_space<vmem>> -> memref<64x128xf32, #tpu.memory_space<vmem>>
    tpu.wait_dma2 semaphore(%arg21 : memref<!tpu.dma_semaphore, #tpu.memory_space<semaphore_mem>>) src(%dma_wait3A_106 : memref<64x128xf32, #tpu.memory_space<vmem>>) dst(%dma_wait3A_102 : memref<64x128xf32, #tpu.memory_space<hbm>>)
    %add3A_107 = arith.constant 448 : i32
    %add3A_108 = arith.addi %mul3A_2, %add3A_107 : i32
    %dma_wait3A_109 = arith.constant 7 : i32
    %dma_wait3A_110 = arith.constant 25 : i32
    %dma_wait3A_111 = arith.constant 0 : i32
    %dma_wait3A_112 = arith.constant 0 : i32
    %dma_wait3A_113 = tpu.memref_slice %arg6[%dma_wait3A_109, %dma_wait3A_111, %dma_wait3A_112] : memref<8x64x128xf32, #tpu.memory_space<vmem>> -> memref<1x64x128xf32, #tpu.memory_space<vmem>>
    %dma_wait3A_114 = tpu.memref_squeeze %dma_wait3A_113 : memref<1x64x128xf32, #tpu.memory_space<vmem>> -> memref<64x128xf32, #tpu.memory_space<vmem>>
    %dma_wait3A_115 = arith.constant 0 : i32
    %dma_wait3A_116 = tpu.memref_slice %arg4[%dma_wait3A_110, %add3A_108, %dma_wait3A_115] : memref<26x16384x128xf32, #tpu.memory_space<hbm>> -> memref<1x64x128xf32, #tpu.memory_space<hbm>>
    %dma_wait3A_117 = tpu.memref_squeeze %dma_wait3A_116 : memref<1x64x128xf32, #tpu.memory_space<hbm>> -> memref<64x128xf32, #tpu.memory_space<hbm>>
    %dma_wait3A_118 = arith.constant 0 : i32
    %dma_wait3A_119 = tpu.memref_slice %arg4[%dma_wait3A_110, %add3A_108, %dma_wait3A_118] : memref<26x16384x128xf32, #tpu.memory_space<hbm>> -> memref<1x64x128xf32, #tpu.memory_space<hbm>>
    %dma_wait3A_120 = tpu.memref_squeeze %dma_wait3A_119 : memref<1x64x128xf32, #tpu.memory_space<hbm>> -> memref<64x128xf32, #tpu.memory_space<hbm>>
    %dma_wait3A_121 = arith.constant 0 : i32
    %dma_wait3A_122 = arith.constant 0 : i32
    %dma_wait3A_123 = tpu.memref_slice %arg6[%dma_wait3A_109, %dma_wait3A_121, %dma_wait3A_122] : memref<8x64x128xf32, #tpu.memory_space<vmem>> -> memref<1x64x128xf32, #tpu.memory_space<vmem>>
    %dma_wait3A_124 = tpu.memref_squeeze %dma_wait3A_123 : memref<1x64x128xf32, #tpu.memory_space<vmem>> -> memref<64x128xf32, #tpu.memory_space<vmem>>
    tpu.wait_dma2 semaphore(%arg22 : memref<!tpu.dma_semaphore, #tpu.memory_space<semaphore_mem>>) src(%dma_wait3A_124 : memref<64x128xf32, #tpu.memory_space<vmem>>) dst(%dma_wait3A_120 : memref<64x128xf32, #tpu.memory_space<hbm>>)
    return
  }
}

</mosaic_0001>

<sc_bundles>
// kernel: kernel.3.cloned.1.call-start
scs
__scs_entry_jumppad:
0x0: {  	(pc) =	sbr.rel $0x88, $3  }
0x1: {  	(tag) =	ssettag $0x0;
	lr =	simm.s32 $0x1  }
0x2: {  	[smem:$0x3F9F] =	sst lr;
	_ =	strace $0xD0000000  }
0x3: {  	_ = 	snop  }
0x4: {  	_ = 	snop  }
0x5: {  	_ = 	snop  }
0x6: {  	_ = 	snop  }
0x7: {  	_ = 	snop  }
__scs_overlays_trampoline_lowered:
0x8: {  	[smem:$0x3FAE] =	sst s0  }
0x9: {  	[smem:$0x3FAF] =	sst s1  }
0xa: {  	[smem:$0x3FB0] =	sst s2  }
0xb: {  	[smem:$0x3FB1] =	sst s3  }
0xc: {  	[smem:$0x3FB2] =	sst s4  }
0xd: {  	[smem:$0x3FB3] =	sst s5  }
0xe: {  	[smem:$0x3FB4] =	sst s6  }
0xf: {  	[smem:$0x3FB5] =	sst s7  }
0x10: {  	[smem:$0x3FB6] =	sst s8  }
0x11: {  	[smem:$0x3FB7] =	sst s9;
	s0 =	simm.s32 @!p0 $0x0  }
0x12: {  	s1 =	sld [smem:$0x3F9D];
	s0 =	simm.s32 @p0 $0x1  }
0x13: {  	[smem:$0x3FB8] =	sst s0;
	s0 =	simm.s32 @!p1 $0x0  }
0x14: {  	s2 =	sld [smem:$0x3F9C];
	s0 =	simm.s32 @p1 $0x1  }
0x15: {  	[smem:$0x3FB9] =	sst s0;
	s0 =	simm.s32 @!p2 $0x0  }
0x16: {  	s3 =	sld [smem:$0x3FDB];
	s0 =	simm.s32 @p2 $0x1  }
0x17: {  	s4 =	simm.s32 $0x1BF5;
	[smem:$0x3FBB] =	sst s0  }
0x18: {  	s0 =	sld [smem:$0x3F9E];
	_ =	swait.ge [sflag:s4], $0x0  }
0x19: {  	s7 =	sld [smem:$0x3F9F]  }
0x1a: {  	s8 =	sadd.s32 $0xFFFFE003, lr  }
0x1b: {  	s9 =	sadd.s32 $0xFFFFFEF7, lr;
	s5 =	simm.s32 $0xFFFFFFFF;
	p2 =	slt.u32 s8, $0xFFFFF086  }
0x1c: {  	p1 =	slt.u32 s9, $0xF7A;
	s5 =	simm.s32 @!p2 $0x0  }
0x1d: {  	s5 =	simm.s32 @p1 $0x1;
	p0 =	seq.s32 s7, s2  }
0x1e: {  	s7 =	smul.u32 @!p0 $0xF7A, s2;
	p2 =	seq.s32 @!p0 s5, $0x0  }
0x1f: {  	s9 =	smul.u32 $0xF7A, s1;
	s8 =	simm.s32 @!p0 $0x1BF5;
	p2 =	por !p2, p0  }
0x20: {  	[sflag:s8] =	ssyncset.s32 @!p0 $0xFFFFF086;
	s6 =	sadd.s32 @!p0 s3, s7;
	s7 =	simm.s32 @!p0 $0x108  }
0x21: {  	s3 =	sadd.s32 s3, s9;
	s6 =	sadd.s32 @!p0 $0x88, s6;
	s7 =	simm.s32 @p2 $0x1082  }
0x22: {  	[simem:s7], [sflag:s8] =	dma.local @!p0 [hbm:s6], $0xF7A  }
0x23: {  	s9 =	sor.u32 $0xD0000000, s2;
	s6 =	simm.s32 $0x108;
	_ =	swait.ge @!p0 [sflag:s8], $0x0  }
0x24: {  	s3 =	sadd.s32 $0x88, s3;
	s6 =	simm.s32 @!p1 $0x1082;
	[sflag:s4] =	ssyncset.s32 $0xFFFFF086  }
0x25: {  	[simem:s6], [sflag:s4] =	dma.local [hbm:s3], $0xF7A  }
0x26: {  	[smem:$0x3F9F] =	sst s1;
	(tag) =	ssettag s2;
	_ =	strace s9  }
0x27: {  	s1 =	sld [smem:$0x3FAF]  }
0x28: {  	s2 =	sld [smem:$0x3FB0]  }
0x29: {  	s4 =	sld [smem:$0x3FB2]  }
0x2a: {  	p0 =	seq.s32 s5, $0x0;
	s5 =	sld [smem:$0x3FB3]  }
0x2b: {  	s6 =	sld [smem:$0x3FB4]  }
0x2c: {  	s7 =	sld [smem:$0x3FB5]  }
0x2d: {  	s3 =	simm.s32 $0x108;
	s8 =	sld [smem:$0x3FB6]  }
0x2e: {  	s3 =	simm.s32 @!p0 $0x1082;
	s9 =	sld [smem:$0x3FB7]  }
0x2f: {  	lr =	sadd.s32 s0, s3;
	s0 =	sld [smem:$0x3FAE]  }
0x30: {  	s3 =	sld [smem:$0x3FB1]  }
0x31: {  	[smem:$0x3FBA] =	sst s10  }
0x32: {  	s10 =	sld [smem:$0x3FB8];
	_ =	sdelay $0x3  }
0x33: {  	p0 =	seq.s32 s10, $0x1;
	s10 =	sld [smem:$0x3FBA];
	_ =	sdelay $0x3  }
0x34: {  	[smem:$0x3FBA] =	sst s10  }
0x35: {  	s10 =	sld [smem:$0x3FB9];
	_ =	sdelay $0x3  }
0x36: {  	p1 =	seq.s32 s10, $0x1;
	s10 =	sld [smem:$0x3FBA];
	_ =	sdelay $0x3  }
0x37: {  	[smem:$0x3FBA] =	sst s10  }
0x38: {  	s10 =	sld [smem:$0x3FBB]  }
0x39: {  	_ = 	snop;
	(pc) =	sbr.ind lr, $3  }
0x3a: {  	_ = 	snop  }
0x3b: {  	_ = 	snop  }
0x3c: {  	p2 =	seq.s32 s10, $0x1;
	s10 =	sld [smem:$0x3FBA]  }
0x3d: {  	_ =	shalt  }
0x3e: {  	_ =	shalt  }
0x3f: {  	_ =	shalt  }
0x40: {  	_ =	shalt  }
0x41: {  	_ =	shalt  }
0x42: {  	_ =	shalt  }
0x43: {  	_ =	shalt  }
0x44: {  	_ =	shalt  }
0x45: {  	_ =	shalt  }
0x46: {  	_ =	shalt  }
0x47: {  	_ =	shalt  }
0x48: {  	_ =	shalt  }
0x49: {  	_ =	shalt  }
0x4a: {  	_ =	shalt  }
0x4b: {  	_ =	shalt  }
0x4c: {  	_ =	shalt  }
0x4d: {  	_ =	shalt  }
0x4e: {  	_ =	shalt  }
0x4f: {  	_ =	shalt  }
0x50: {  	_ =	shalt  }
0x51: {  	_ =	shalt  }
0x52: {  	_ =	shalt  }
0x53: {  	_ =	shalt  }
0x54: {  	_ =	shalt  }
0x55: {  	_ =	shalt  }
0x56: {  	_ =	shalt  }
0x57: {  	_ =	shalt  }
0x58: {  	_ =	shalt  }
0x59: {  	_ =	shalt  }
0x5a: {  	_ =	shalt  }
0x5b: {  	_ =	shalt  }
0x5c: {  	_ =	shalt  }
0x5d: {  	_ =	shalt  }
0x5e: {  	_ =	shalt  }
0x5f: {  	_ =	shalt  }
0x60: {  	_ =	shalt  }
0x61: {  	_ =	shalt  }
0x62: {  	_ =	shalt  }
0x63: {  	_ =	shalt  }
0x64: {  	_ =	shalt  }
0x65: {  	_ =	shalt  }
0x66: {  	_ =	shalt  }
0x67: {  	_ =	shalt  }
0x68: {  	_ =	shalt  }
0x69: {  	_ =	shalt  }
0x6a: {  	_ =	shalt  }
0x6b: {  	_ =	shalt  }
0x6c: {  	_ =	shalt  }
0x6d: {  	_ =	shalt  }
0x6e: {  	_ =	shalt  }
0x6f: {  	_ =	shalt  }
0x70: {  	_ =	shalt  }
0x71: {  	_ =	shalt  }
0x72: {  	_ =	shalt  }
0x73: {  	_ =	shalt  }
0x74: {  	_ =	shalt  }
0x75: {  	_ =	shalt  }
0x76: {  	_ =	shalt  }
0x77: {  	_ =	shalt  }
0x78: {  	_ =	shalt  }
0x79: {  	_ =	shalt  }
0x7a: {  	_ =	shalt  }
0x7b: {  	_ =	shalt  }
0x7c: {  	_ =	shalt  }
0x7d: {  	_ =	shalt  }
0x7e: {  	_ =	shalt  }
0x7f: {  	_ =	shalt  }
0x80: {  	_ =	shalt  }
0x81: {  	_ =	shalt  }
0x82: {  	_ =	shalt  }
0x83: {  	_ =	shalt  }
0x84: {  	_ =	shalt  }
0x85: {  	_ =	shalt  }
0x86: {  	_ =	shalt  }
0x87: {  	_ =	shalt  }
.Lfunc_end0:
.L_simem_size_0:
called_computation_lowered:
.L_overlay_start_0:
0x88: {  	s2 =	sld [smem:$0x3FD9]  }
0x89: {  	s3 =	sld [smem:$0x3FFE];
	_ =	sdelay $0x1  }
0x8a: {  	s1 =	srdreg.scid  }
0x8b: {  	s0 =	sand.u32 $0x1, s1  }
0x8c: {  	s17 =	sshll.u32 s0, $0xA;
	s2 =	sadd.s32 s3, s2  }
0x8d: {  	s2 =	sadd.s32 s2, s17  }
0x8e: {  	[smem:$0x3FC6] =	sst s2  }
0x8f: {  	_ = 	snop  }
0x90: {  	s2 =	sld [smem:$0x3FC8]  }
0x91: {  	s18 =	sld [smem:$0x3FD0];
	(tm) =	ssettm $0x1  }
0x92: {  	s4 =	sld [smem:$0x3FFB];
	_ =	sdelay $0x3  }
0x93: {  	_ =	strace s4  }
0x94: {  	s4 =	sld [smem:$0x3FFC];
	_ =	sdelay $0x3  }
0x95: {  	_ =	strace s4  }
0x96: {  	s4 =	sld [smem:$0x3FFD];
	_ =	sdelay $0x3  }
0x97: {  	_ =	strace s4  }
0x98: {  	_ =	strace $0x8FFFFFFF  }
0x99: {  	s19 =	sld [smem:$0x3FDB];
	_ =	sdelay $0x1  }
0x9a: {  	s5 =	simm.s32 $_scs_section_size  }
0x9b: {  	s6 =	simm.s32 $_size__tile_overlayer_lowered;
	s7 =	simm.s32 $_tile_overlayer_lowered  }
0x9c: {  	s22 =	simm.s32 $0x1BFF;
	s21 =	sshll.u32 s7, $0x1;
	s4 =	sadd.s32 s5, s19  }
0x9d: {  	s8 =	simm.s32 $0x0;
	s20 =	sshll.u32 s6, $0x1;
	s6 =	sadd.s32 s21, s4  }
0x9e: {  	[timem:s8], [sflag:s22] =	dma.local [hbm:s6], s20  }
0x9f: {  	_ =	swait.ge [sflag:s22], s20  }
0xa0: {  	s5 =	ssub.s32 $0x0, s20;
	[sflag:s22] =	ssyncset.done $0x0  }
0xa1: {  	[sflag:s22] =	ssyncadd.s32 s5;
	_ =	sdelay $0x1  }
0xa2: {  	s23 =	simm.s32 $0x1B8B  }
0xa3: {  	_ =	swait.ge [sflag:s23], $0x1  }
0xa4: {  	[sflag:s23] =	ssyncset.done $0x0  }
0xa5: {  	s25 =	simm.s32 $0x1B8E;
	s24 =	sld [smem:$0x3FFE];
	[sflag:s23] =	ssyncadd.s32 $0xFFFFFFFF  }
0xa6: {  	s26 =	simm.s32 $execute0_lowered;
	[smem:$0x3FD2] =	sst s25  }
0xa7: {  	s6 =	sshll.u32 s26, $0x1;
	_ =	strace $0x80000046;
	[dreg:$0x1] =	wrdreg $0xFFFFFFFF  }
0xa8: {  	s28 =	simm.s32 $_size_execute0_lowered;
	s4 =	sadd.s32 s4, s6;
	[dreg:$0x0] =	wrdreg $0x0  }
0xa9: {  	s6 =	sshll.u32 s28, $0x1;
	[dreg:$0x2] =	wrdreg s4  }
0xaa: {  	[dreg:$0x3] =	wrdreg s6  }
0xab: {  	[dreg:$0x4] =	wrdreg $0xC0  }
0xac: {  	_ =	task [dreg:s8], $0x5FFFF  }
0xad: {  	[dreg:$0x1] =	wrdreg $0xFFFFFFFF  }
0xae: {  	[dreg:$0x0] =	wrdreg $0x60  }
0xaf: {  	[dreg:$0x2] =	wrdreg s24  }
0xb0: {  	[dreg:$0x3] =	wrdreg s2  }
0xb1: {  	[dreg:$0x4] =	wrdreg s18  }
0xb2: {  	[dreg:$0x5] =	wrdreg $0x9  }
0xb3: {  	_ =	task.clear_ibuf [dreg:s8], $0x6FFFF;
	_ =	strace $0x90000046  }
0xb4: {  	s29 =	simm.s32 $0x9;
	_ =	strace $0x80000048  }
0xb5: {  	_ =	swait.ge [sflag:s29], $0x1  }
0xb6: {  	[sflag:s29] =	ssyncadd.s32 $0xFFFFFFFF  }
0xb7: {  	_ =	strace $0x90000048  }
0xb8: {  	_ =	sfence  }
0xb9: {  	s30 =	sld [smem:$0x0];
	_ =	sdelay $0x2  }
0xba: {  	s31 =	sshll.u32 s1, $0xD;
	s1 =	sshrl.u32 s1, $0x2  }
0xbb: {  	s3 =	sand.u32 $0x4000, s31;
	s1 =	sadd.s32 s1, s30  }
0xbc: {  	s0 =	sor.u32 s3, s0;
	s1 =	sshll.u32 s1, $0x11  }
0xbd: {  	s0 =	sor.u32 s1, s0  }
0xbe: {  	s0 =	sadd.s32 $0x8F2B, s0  }
0xbf: {  	[sflag:s0] =	ssyncadd.remote.s32 $0x1  }
0xc0: {  	_ =	sfence.sel $0xFFFF  }
0xc1: {  	[dreg:$0x0] =	wrdreg $0xFFFFFFFF;
	(pc) =	sbr.abs _section_cstart, $3  }
0xc2: {  	[dreg:$0x1] =	wrdreg $0xFFFFFFFF  }
0xc3: {  	_ =	task.clear_ibuf [dreg:s8], $0x2FFFF;
	_ =	strace $0x9FFFFFFF  }
0xc4: {  	(tm) =	ssettm $0x7FFFFFFF  }
0xc5: {  	_ =	shalt  }
tec
execute0_lowered:
.L_overlay_start_1:
0x0: {  	(tag) =	ssettag $0x1  }
0x1: {  	s0 =	rddreg [dreg:$0x0]  }
0x2: {  	s2 =	rddreg [dreg:$0x1]  }
0x3: {  	s3 =	rddreg [dreg:$0x2];
	s1 =	srdreg.scid  }
0x4: {  	s5 =	stileid.u32;
	s4 =	simm.s32 $0x0;
	s16 =	simm.s32 $0x40  }
0x5: {  	s28 =	simm.s32 $0x6000;
	s18 =	simm.s32 $0x8000;
	s20 =	simm.s32 $0xA000  }
0x6: {  	s29 =	simm.s32 $0x3;
	s31 =	simm.s32 $0x4;
	s19 =	simm.s32 $0xA  }
0x7: {  	s21 =	simm.s32 $0x6;
	s14 =	simm.s32 $0x7;
	s15 =	simm.s32 $0xC  }
0x8: {  	s17 =	simm.s32 $0x8;
	s22 =	simm.s32 $0x0;
	s30 =	simm.s32 $0x12000  }
0x9: {  	s23 =	simm.s32 $0xC000;
	s1 =	sand.u32 $0x1, s1;
	s5 =	sshll.u32 s5, $0x1  }
0xa: {  	[smem:$0x7FF] =	sst s4;
	s5 =	sor.u32 s1, s5;
	s1 =	ssub.s32 $0x2, s1  }
0xb: {  	_ =	strace $0x80000047;
	s6 =	sshll.u32 s5, $0xB;
	s24 =	sshrl.u32 s1, $0x1  }
0xc: {  	s7 =	sshll.u32 s5, $0x10;
	s0 =	sadd.s32 s6, s0;
	s1 =	ssub.s32 s1, s24  }
0xd: {  	s8 =	sor.u32 $0x2000, s7;
	s9 =	sor.u32 $0x4000, s7;
	s10 =	sor.u32 $0x6000, s7  }
0xe: {  	s12 =	sor.u32 $0x8000, s7;
	s25 =	sor.u32 $0xA000, s7;
	s13 =	sor.u32 $0xC000, s7  }
0xf: {  	s11 =	sor.u32 $0xE000, s7;
	s24 =	simm.s32 $0x1;
	s6 =	simm.s32 $0xB  }
0x10: {  	s0 =	sadd.s32 $0x400, s0;
	[dreg:$0x5] =	wrdreg s25;
	s26 =	smax.u32 s1, $0x1  }
0x11: {  	s25 =	simm.s32 $0x4000;
	s1 =	simm.s32 $0x5;
	[dreg:$0x4] =	wrdreg s0  }
0x12: {  	[dreg:$0x6] =	wrdreg s26;
	s26 =	simm.s32 $0x2;
	s0 =	simm.s32 $0x9  }
.LBB2_1:
0x13: {  	[dreg:$0x7] =	wrdreg s22  }
0x14: {  	s5 =	rddreg [dreg:$0x4];
	s22 =	simm.s32 $0x11  }
0x15: {  	[tilespmem:s4], [sflag:$0x11] =	stream.linear.gather [hbm4b:s5+s4], $0x4000, $0x38;
	[tilespmem:$0x14000] =	vst v63  }
0x16: {  	_ =	swait.ge [sflag:s22], $0x4000  }
0x17: {  	[sflag:s22] =	ssyncset.done $0x0  }
0x18: {  	[sflag:s22] =	ssyncadd.s32 $0xFFFFC000  }
0x19: {  	[tilespmem:s25], [sflag:$0x1] =	stream.indirect.gather [hbm4b:s2+s16], $0x80, s4, s16, $0xb8;
	[tilespmem:$0x14000] =	vst v63  }
0x1a: {  	_ = 	snop  }
0x1b: {  	[tilespmem:s28], [sflag:$0x2] =	stream.indirect.gather [hbm4b:s2+s16], $0x80, s16, s16, $0xb8;
	[tilespmem:$0x14000] =	vst v63  }
0x1c: {  	s22 =	simm.s32 $0x400  }
0x1d: {  	[tilespmem:s18], [sflag:$0x3] =	stream.indirect.gather [hbm4b:s2+s16], $0x80, s22, s16, $0xb8;
	[tilespmem:$0x14000] =	vst v63  }
0x1e: {  	s22 =	simm.s32 $0x440;
	s18 =	simm.s32 $0x0  }
0x1f: {  	[tilespmem:s20], [sflag:$0x4] =	stream.indirect.gather [hbm4b:s2+s16], $0x80, s22, s16, $0xb8;
	[tilespmem:$0x14000] =	vst v63  }
.LBB2_2:
0x20: {  	p0 =	seq.s32 s18, $0x0  }
0x21: {  	s22 =	sshll.u32 s18, $0x9;
	s5 =	sshll.u32 s18, $0x7;
	s20 =	simm.s32 @!p0 $0xD  }
0x22: {  	s22 =	sand.u32 $0x3000, s22;
	s5 =	sand.u32 $0x380, s5;
	_ =	swait.ge @!p0 [sflag:s20], $0x2000  }
0x23: {  	s5 =	sor.u32 s5, s22;
	[sflag:s20] =	ssyncset.done @!p0 $0x0  }
0x24: {  	s22 =	sor.u32 $0x800, s5;
	[sflag:s20] =	ssyncadd.s32 @!p0 $0xFFFFE000;
	s20 =	sshll.u32 s18, $0x15  }
0x25: {  	[tilespmem:s23], [sflag:$0x5] =	stream.indirect.gather [hbm4b:s2+s16], $0x80, s22, s16, $0xb8;
	[tilespmem:$0x14000] =	vst v63  }
0x26: {  	s22 =	sor.u32 s7, s20;
	_ =	swait.ge [sflag:s24], $0x2000  }
0x27: {  	s22 =	sshrl.u32 s22, $0x3;
	[sflag:s24] =	ssyncset.done $0x0  }
0x28: {  	s22 =	sadd.s32 s3, s22;
	[sflag:s24] =	ssyncadd.s32 $0xFFFFE000  }
0x29: {  	[hbm4b:s22+s4] =	stream.linear.scatter [tilespmem:s25], [sflag:$0x9], $0x2000, $0x38;
	[tilespmem:$0x14000] =	vst v63  }
0x2a: {  	s22 =	simm.s32 @!p0 $0xE  }
0x2b: {  	_ =	swait.ge @!p0 [sflag:s22], $0x2000  }
0x2c: {  	[sflag:s22] =	ssyncset.done @!p0 $0x0  }
0x2d: {  	s24 =	simm.s32 $0xE000;
	s25 =	sadd.s32 $0x840, s5;
	[sflag:s22] =	ssyncadd.s32 @!p0 $0xFFFFE000  }
0x2e: {  	[tilespmem:s24], [sflag:$0x6] =	stream.indirect.gather [hbm4b:s2+s16], $0x80, s25, s16, $0xb8;
	[tilespmem:$0x14000] =	vst v63  }
0x2f: {  	s25 =	sor.u32 s8, s20;
	_ =	swait.ge [sflag:s26], $0x2000  }
0x30: {  	s22 =	sshrl.u32 s25, $0x3;
	[sflag:s26] =	ssyncset.done $0x0  }
0x31: {  	s22 =	sadd.s32 s3, s22;
	[sflag:s26] =	ssyncadd.s32 $0xFFFFE000  }
0x32: {  	[hbm4b:s22+s4] =	stream.linear.scatter [tilespmem:s28], [sflag:$0xA], $0x2000, $0x38;
	[tilespmem:$0x14000] =	vst v63  }
0x33: {  	s22 =	simm.s32 @!p0 $0xF  }
0x34: {  	_ =	swait.ge @!p0 [sflag:s22], $0x2000  }
0x35: {  	[sflag:s22] =	ssyncset.done @!p0 $0x0  }
0x36: {  	s25 =	sadd.s32 $0xC00, s5;
	s26 =	simm.s32 $0x10000;
	[sflag:s22] =	ssyncadd.s32 @!p0 $0xFFFFE000  }
0x37: {  	[tilespmem:s26], [sflag:$0x7] =	stream.indirect.gather [hbm4b:s2+s16], $0x80, s25, s16, $0xb8;
	[tilespmem:$0x14000] =	vst v63  }
0x38: {  	s25 =	sor.u32 s9, s20;
	_ =	swait.ge [sflag:s29], $0x2000  }
0x39: {  	s22 =	sshrl.u32 s25, $0x3;
	[sflag:s29] =	ssyncset.done $0x0  }
0x3a: {  	s25 =	simm.s32 $0x8000;
	s22 =	sadd.s32 s3, s22;
	[sflag:s29] =	ssyncadd.s32 $0xFFFFE000  }
0x3b: {  	[hbm4b:s22+s4] =	stream.linear.scatter [tilespmem:s25], [sflag:$0xB], $0x2000, $0x38;
	[tilespmem:$0x14000] =	vst v63  }
0x3c: {  	s22 =	simm.s32 @!p0 $0x10  }
0x3d: {  	s5 =	sadd.s32 $0xC40, s5;
	_ =	swait.ge @!p0 [sflag:s22], $0x2000  }
0x3e: {  	s28 =	smov.u32 s11;
	s11 =	smov.u32 s9;
	[sflag:s22] =	ssyncset.done @!p0 $0x0  }
0x3f: {  	s9 =	smov.u32 s7;
	s25 =	simm.s32 $0xA000;
	[sflag:s22] =	ssyncadd.s32 @!p0 $0xFFFFE000  }
0x40: {  	[tilespmem:s30], [sflag:$0x8] =	stream.indirect.gather [hbm4b:s2+s16], $0x80, s5, s16, $0xb8;
	[tilespmem:$0x14000] =	vst v63  }
0x41: {  	s22 =	sor.u32 s10, s20;
	p0 =	seq.s32 s18, $0x19;
	_ =	swait.ge [sflag:s31], $0x2000  }
0x42: {  	s5 =	sshrl.u32 s22, $0x3;
	s18 =	sadd.s32 @!p0 $0x1, s18;
	[sflag:s31] =	ssyncset.done $0x0  }
0x43: {  	s7 =	simm.s32 @!p0 $0x4000;
	s5 =	sadd.s32 s3, s5;
	[sflag:s31] =	ssyncadd.s32 $0xFFFFE000  }
0x44: {  	[hbm4b:s5+s4] =	stream.linear.scatter [tilespmem:s25], [sflag:$0xC], $0x2000, $0x38;
	[tilespmem:$0x14000] =	vst v63  }
0x45: {  	s22 =	sshll.u32 @!p0 s18, $0x7;
	s5 =	sshll.u32 @!p0 s18, $0x9;
	_ =	swait.ge [sflag:s0], $0x2000  }
0x46: {  	s22 =	sand.u32 @!p0 $0x380, s22;
	s5 =	sand.u32 @!p0 $0x7000, s5;
	[sflag:s0] =	ssyncset.done $0x0  }
0x47: {  	s5 =	sor.u32 @!p0 s22, s5;
	s22 =	simm.s32 @!p0 $0x40;
	[sflag:s0] =	ssyncadd.s32 $0xFFFFE000  }
0x48: {  	[tilespmem:s7], [sflag:$0x1] =	stream.indirect.gather @!p0 [hbm4b:s2+s22], $0x80, s5, s22, $0xb8;
	[tilespmem:$0x14000] =	vst v63  }
0x49: {  	s25 =	sor.u32 s12, s20;
	_ =	swait.ge [sflag:s1], $0x2000  }
0x4a: {  	s7 =	sshrl.u32 s25, $0x3;
	[sflag:s1] =	ssyncset.done $0x0  }
0x4b: {  	s7 =	sadd.s32 s3, s7;
	[sflag:s1] =	ssyncadd.s32 $0xFFFFE000  }
0x4c: {  	[hbm4b:s7+s4] =	stream.linear.scatter [tilespmem:s23], [sflag:$0xD], $0x2000, $0x38;
	[tilespmem:$0x14000] =	vst v63  }
0x4d: {  	s25 =	smov.u32 s13;
	s13 =	smov.u32 s12;
	_ =	swait.ge [sflag:s19], $0x2000  }
0x4e: {  	s12 =	smov.u32 s10;
	s10 =	smov.u32 s8;
	[sflag:s19] =	ssyncset.done $0x0  }
0x4f: {  	s8 =	simm.s32 @!p0 $0x6000;
	s7 =	sor.u32 @!p0 $0x40, s5;
	[sflag:s19] =	ssyncadd.s32 $0xFFFFE000  }
0x50: {  	[tilespmem:s8], [sflag:$0x2] =	stream.indirect.gather @!p0 [hbm4b:s2+s22], $0x80, s7, s22, $0xb8;
	[tilespmem:$0x14000] =	vst v63  }
0x51: {  	_ =	swait.ge [sflag:s21], $0x2000  }
0x52: {  	s8 =	rddreg [dreg:$0x5]  }
0x53: {  	s7 =	sor.u32 s8, s20  }
0x54: {  	[sflag:s21] =	ssyncset.done $0x0;
	s7 =	sshrl.u32 s7, $0x3  }
0x55: {  	[sflag:s21] =	ssyncadd.s32 $0xFFFFE000;
	s7 =	sadd.s32 s3, s7  }
0x56: {  	[hbm4b:s7+s4] =	stream.linear.scatter [tilespmem:s24], [sflag:$0xE], $0x2000, $0x38;
	[tilespmem:$0x14000] =	vst v63  }
0x57: {  	_ =	swait.ge [sflag:s6], $0x2000  }
0x58: {  	[sflag:s6] =	ssyncset.done $0x0  }
0x59: {  	s8 =	simm.s32 @!p0 $0x8000;
	s7 =	sor.u32 @!p0 $0x400, s5;
	[sflag:s6] =	ssyncadd.s32 $0xFFFFE000  }
0x5a: {  	[tilespmem:s8], [sflag:$0x3] =	stream.indirect.gather @!p0 [hbm4b:s2+s22], $0x80, s7, s22, $0xb8;
	[tilespmem:$0x14000] =	vst v63  }
0x5b: {  	s8 =	smov.u32 s10  }
0x5c: {  	s10 =	smov.u32 s12;
	s12 =	smov.u32 s13;
	s13 =	smov.u32 s25  }
0x5d: {  	_ =	swait.ge [sflag:s14], $0x2000;
	s7 =	sor.u32 s13, s20  }
0x5e: {  	[sflag:s14] =	ssyncset.done $0x0;
	s7 =	sshrl.u32 s7, $0x3  }
0x5f: {  	[sflag:s14] =	ssyncadd.s32 $0xFFFFE000;
	s7 =	sadd.s32 s3, s7  }
0x60: {  	[hbm4b:s7+s4] =	stream.linear.scatter [tilespmem:s26], [sflag:$0xF], $0x2000, $0x38;
	[tilespmem:$0x14000] =	vst v63  }
0x61: {  	_ =	swait.ge [sflag:s15], $0x2000  }
0x62: {  	s18 =	simm.s32 @p0 $0x1A;
	s24 =	simm.s32 $0x1;
	[sflag:s15] =	ssyncset.done $0x0  }
0x63: {  	s5 =	sor.u32 @!p0 $0x440, s5;
	s7 =	simm.s32 @!p0 $0xA000;
	[sflag:s15] =	ssyncadd.s32 $0xFFFFE000  }
0x64: {  	[tilespmem:s7], [sflag:$0x4] =	stream.indirect.gather @!p0 [hbm4b:s2+s22], $0x80, s5, s22, $0xb8;
	[tilespmem:$0x14000] =	vst v63  }
0x65: {  	s25 =	simm.s32 $0x4000;
	s7 =	smov.u32 s9;
	p0 =	sne.s32 s18, $0x1A  }
.Ltmp0:
0x66: {  	s9 =	smov.u32 s11;
	s11 =	smov.u32 s28;
	(pc) =	sbr.rel @p0 .LBB2_2-.Ltmp0, $4  }
0x67: {  	s26 =	simm.s32 $0x2;
	_ =	swait.ge [sflag:s17], $0x2000;
	s20 =	sor.u32 s11, s20  }
0x68: {  	s22 =	simm.s32 $0x12000;
	[sflag:s17] =	ssyncset.done $0x0;
	s5 =	sshrl.u32 s20, $0x3  }
0x69: {  	s28 =	simm.s32 $0x6000;
	[sflag:s17] =	ssyncadd.s32 $0xFFFFE000;
	s5 =	sadd.s32 s3, s5  }
0x6a: {  	[hbm4b:s5+s4] =	stream.linear.scatter [tilespmem:s22], [sflag:$0x10], $0x2000, $0x38;
	[tilespmem:$0x14000] =	vst v63  }
0x6b: {  	s5 =	simm.s32 $0xD  }
0x6c: {  	_ =	swait.ge [sflag:s5], $0x2000  }
0x6d: {  	[sflag:s5] =	ssyncset.done $0x0  }
0x6e: {  	s22 =	simm.s32 $0xE;
	[sflag:s5] =	ssyncadd.s32 $0xFFFFE000  }
0x6f: {  	_ =	swait.ge [sflag:s22], $0x2000  }
0x70: {  	[sflag:s22] =	ssyncset.done $0x0  }
0x71: {  	s18 =	simm.s32 $0xF;
	[sflag:s22] =	ssyncadd.s32 $0xFFFFE000  }
0x72: {  	_ =	swait.ge [sflag:s18], $0x2000  }
0x73: {  	[sflag:s18] =	ssyncset.done $0x0  }
0x74: {  	[sflag:s18] =	ssyncadd.s32 $0xFFFFE000;
	s18 =	simm.s32 $0x10  }
0x75: {  	_ =	swait.ge [sflag:s18], $0x2000  }
0x76: {  	s22 =	rddreg [dreg:$0x7]  }
0x77: {  	s20 =	rddreg [dreg:$0x6];
	s22 =	sadd.s32 $0x1, s22  }
0x78: {  	p0 =	sne.s32 s22, s20  }
.Ltmp1:
0x79: {  	_ = 	snop;
	(pc) =	sbr.rel @p0 .LBB2_1-.Ltmp1, $3  }
0x7a: {  	_ =	sdelay $0x1  }
0x7b: {  	[sflag:s18] =	ssyncset.done $0x0  }
0x7c: {  	[sflag:s18] =	ssyncadd.s32 $0xFFFFE000;
	s18 =	simm.s32 $0x8000;
	s20 =	simm.s32 $0xA000  }
0x7d: {  	_ =	sfence.sel $0x180000  }
0x7e: {  	[bflag:$0x0] =	sbarrier.arrive $0xFFFF  }
0x7f: {  	_ =	strace $0x90000047  }
0x80: {  	s0 =	stileid.u32;
	[bflag:$0x2] =	sbarrier.arrive $0xFFFF  }
0x81: {  	p0 =	sne.s32 s0, $0x0;
	s0 =	rddreg [dreg:$0x3]  }
0x82: {  	s0 =	sadd.s32 @!p0 $0x100000, s0  }
0x83: {  	[sflag:s0] =	ssyncadd.tile.s32 @!p0 $0x1;
	_ =	shalt  }
.Lfunc_end2:
_tile_overlayer_lowered:
.L_overlay_start_2:
0x84: {  	(tag) =	ssettag $0x2  }
0x85: {  	s0 =	rddreg [dreg:$0x0];
	s2 =	stileid.u32  }
0x86: {  	s1 =	rddreg [dreg:$0x1];
	p0 =	sne.s32 s2, $0x0  }
0x87: {  	s3 =	rddreg [dreg:$0x2];
	[bflag:$0x3] =	sbarrier.arrive $0xFFFF;
	s2 =	simm.s32 @!p0 $0x1C11  }
0x88: {  	[timem:s3], [sflag:s2] =	dma.local @!p0 [hbm:s0], s1  }
0x89: {  	s0 =	simm.s32 @!p0 $0x11  }
0x8a: {  	_ =	swait.ge @!p0 [sflag:s0], s1  }
0x8b: {  	s1 =	ssub.s32 @!p0 $0x0, s1;
	[sflag:s0] =	ssyncset.done @!p0 $0x0  }
0x8c: {  	[sflag:s0] =	ssyncadd.s32 @!p0 s1  }
0x8d: {  	[bflag:$0x3] =	sbarrier.arrive $0xFFFF  }
0x8e: {  	_ =	shalt  }

</sc_bundles>
